<compile_context>
chip_gen: v7x
topology: tpu7x:2x2x1
jax: 0.10.2.dev20260603
libtpu: 0.0.44.dev20260713+nightly
codegen_flags: <defaults>
</compile_context>

<pallas_src>
import functools

import jax
import jax.numpy as jnp
from jax import lax
from jax.experimental import pallas as pl
from jax.experimental.pallas import tpu as pltpu
from jax.experimental.pallas import tpu_sc as plsc

NBINS = 1000
RC = 2.5
N = 8388608

_NC = 2
_NS = 16
_NW = _NC * _NS
_L = 16

_E = N // _NW
_B = 16384
_NBLK = _E // _B
_D = 2
_NGRP = _NBLK // _D
_U = 16

_NPK = 1008

_INV_DX = (NBINS - 1) / RC


def _body(r_hbm, tab_hbm, x_hbm, out_hbm, tab_v, pk_v, r_vs, u_vs, si, so):
    wid = lax.axis_index("s") * _NC + lax.axis_index("c")
    base = wid * _E

    pltpu.sync_copy(tab_hbm, tab_v)

    iota = lax.iota(jnp.int32, _L)
    last = jnp.full((_L,), NBINS - 1, dtype=jnp.int32)
    h8 = jnp.full((_L,), 0x8000, dtype=jnp.int32)
    lo16 = jnp.full((_L,), 0xFFFF, dtype=jnp.int32)
    c16 = jnp.full((_L,), 16, dtype=jnp.int32)

    @plsc.parallel_loop(0, _NPK, step=_L)
    def _(i):
        i0 = jnp.minimum(iota + i, last)
        i1 = jnp.minimum(i0 + 1, last)
        y0 = plsc.load_gather(tab_v, [i0])
        y1 = plsc.load_gather(tab_v, [i1])
        db = plsc.bitcast(y1 - y0, jnp.int32)
        lo = lax.shift_right_logical(db + h8, c16) & lo16
        hi = lax.shift_right_logical(plsc.bitcast(y0, jnp.int32) - lo + h8, c16)
        pk_v[pl.ds(i, _L)] = lax.shift_left(hi, c16) | lo

    inv_dx = jnp.full((_L,), _INV_DX, dtype=jnp.float32)

    def start_in(r_v, sem, b):
        bb = jnp.minimum(b, _NBLK - 1)
        pltpu.async_copy(r_hbm.at[pl.ds(base + bb * _B, _B)], r_v, sem)

    def wait_in(r_v, sem):
        pltpu.make_async_copy(r_hbm.at[pl.ds(base, _B)], r_v, sem).wait()

    def start_out(u_v, sem, b):
        pltpu.async_copy(u_v, out_hbm.at[pl.ds(base + b * _B, _B)], sem)

    def wait_out(u_v, sem):
        pltpu.make_async_copy(u_v, out_hbm.at[pl.ds(base, _B)], sem).wait()

    def compute(r_v, u_v):
        @plsc.parallel_loop(0, _B, step=_L, unroll=_U)
        def _(i):
            sl = pl.ds(i, _L)
            s = r_v[sl] * inv_dx
            fi = s.astype(jnp.int32)
            t = s - fi.astype(jnp.float32)
            w = plsc.load_gather(pk_v, [fi])
            y0 = plsc.bitcast(w, jnp.float32)
            d = plsc.bitcast(lax.shift_left(w, c16), jnp.float32)
            u_v[sl] = y0 + d * t

    for k in range(_D):
        start_in(r_vs[k], si[k], k)
    for k in range(_D):
        wait_in(r_vs[k], si[k])
        compute(r_vs[k], u_vs[k])
        start_out(u_vs[k], so[k], k)
        start_in(r_vs[k], si[k], k + _D)

    def group(g, c):
        b0 = g * _D
        for k in range(_D):
            wait_in(r_vs[k], si[k])
            wait_out(u_vs[k], so[k])
            compute(r_vs[k], u_vs[k])
            start_out(u_vs[k], so[k], b0 + k)
            start_in(r_vs[k], si[k], b0 + k + _D)
        return c

    lax.fori_loop(1, _NGRP, group, 0)

    for k in range(_D):
        wait_in(r_vs[k], si[k])
        wait_out(u_vs[k], so[k])


@functools.partial(jax.jit, static_argnames=())
def kernel(r, tab, x):
    call = pl.kernel(
        _body,
        out_type=jax.ShapeDtypeStruct((N,), jnp.float32),
        mesh=plsc.VectorSubcoreMesh(core_axis_name="c", subcore_axis_name="s"),
        compiler_params=pltpu.CompilerParams(needs_layout_passes=False),
        scratch_types=[
            pltpu.VMEM((NBINS,), jnp.float32),
            pltpu.VMEM((_NPK,), jnp.int32),
            [pltpu.VMEM((_B,), jnp.float32) for _ in range(_D)],
            [pltpu.VMEM((_B,), jnp.float32) for _ in range(_D)],
            [pltpu.SemaphoreType.DMA for _ in range(_D)],
            [pltpu.SemaphoreType.DMA for _ in range(_D)],
        ],
    )
    u = call(r, tab, x)
    return u[:, None]

# --- scband reference (transcript-rebuilt; emitter-appended) ---
"""Pipeline reference for scband-pair-tab-90658169684446 (READ-ONLY COPY).

The authoritative reference and input builder live on the scoring server;
editing this copy changes nothing except your own understanding.
"""

import jax, jax.numpy as jnp
import numpy as np

NBINS = 1000
RC = 2.5
N = 8388608


def setup_inputs(seed: int = 0) -> dict:
    key = jax.random.key(seed)
    k1, k2 = jax.random.split(key)
    # forward input: pair distances in [0, 1) subset of [0, rc]
    r = jax.random.uniform(k1, (N,), dtype=jnp.float32)
    # learned parameter: the tabulated pair energy (torch init is zeros; use small
    # random values so interpolation/backward are non-trivial)
    tab = jax.random.normal(k2, (NBINS,), dtype=jnp.float32) * 0.05
    # fixed buffer: uniform grid linspace(0, rc, nbins)
    x = jnp.linspace(0.0, RC, NBINS, dtype=jnp.float32)
    return {"r": r, "tab": tab, "x": x}


def reference(r, tab, x):
    # Faithful translation of Interp1D(self.x, self.tab)(r.squeeze()).unsqueeze(-1):
    # piecewise-linear interpolation of tab over the uniform grid x, evaluated at r.
    rr = jnp.squeeze(r)
    # locate the left bin edge for each query point
    idx = jnp.searchsorted(x, rr, side='right') - 1
    idx = jnp.clip(idx, 0, NBINS - 2)
    x0 = jnp.take(x, idx)
    x1 = jnp.take(x, idx + 1)
    y0 = jnp.take(tab, idx)
    y1 = jnp.take(tab, idx + 1)
    slope = (y1 - y0) / (x1 - x0)
    u = y0 + slope * (rr - x0)
    return u[..., None]

if __name__ == "__main__":
    import jax
    _d = setup_inputs()
    print(jax.jit(kernel)(*tuple(_d.values())))

</pallas_src>

<mosaic_0001>
#map = affine_map<(d0, d1) -> (0)>
module attributes {stable_mosaic.version = 14 : i64} {
  func.func @_body(%arg0: i32, %arg1: i32, %arg2: memref<8388608xf32, #tpu.memory_space<hbm>>, %arg3: memref<1000xf32, #tpu.memory_space<hbm>>, %arg4: memref<1000xf32, #tpu.memory_space<hbm>>, %arg5: memref<8388608xf32, #tpu.memory_space<hbm>>, %arg6: memref<1000xf32, #tpu.memory_space<vmem>>, %arg7: memref<1008xi32, #tpu.memory_space<vmem>>, %arg8: memref<16384xf32, #tpu.memory_space<vmem>>, %arg9: memref<16384xf32, #tpu.memory_space<vmem>>, %arg10: memref<16384xf32, #tpu.memory_space<vmem>>, %arg11: memref<16384xf32, #tpu.memory_space<vmem>>, %arg12: memref<!tpu.dma_semaphore, #tpu.memory_space<semaphore_mem>>, %arg13: memref<!tpu.dma_semaphore, #tpu.memory_space<semaphore_mem>>, %arg14: memref<!tpu.dma_semaphore, #tpu.memory_space<semaphore_mem>>, %arg15: memref<!tpu.dma_semaphore, #tpu.memory_space<semaphore_mem>>) attributes {dimension_semantics = [#tpu.dimension_semantics<core_parallel>, #tpu.dimension_semantics<subcore_parallel>], iteration_bounds = array<i64: 2, 16>, scalar_prefetch = 0 : i64, scratch_operands = 10 : i64, tpu.core_type = #tpu.core_type<sc_vector_subcore>, window_params = [{transform_indices = #map}, {transform_indices = #map}, {transform_indices = #map}, {transform_indices = #map}]} {
    %mul3A = arith.constant 2 : i32
    %mul3A_0 = arith.muli %arg1, %mul3A : i32
    %add3A = arith.addi %mul3A_0, %arg0 : i32
    %mul3A_1 = arith.constant 262144 : i32
    %mul3A_2 = arith.muli %add3A, %mul3A_1 : i32
    "tpu.region"() ({
      %run_scoped3A = tpu.sem_alloc : memref<!tpu.dma_semaphore, #tpu.memory_space<semaphore_mem>>
      tpu.enqueue_dma source(%arg3 : memref<1000xf32, #tpu.memory_space<hbm>>) target(%arg6 : memref<1000xf32, #tpu.memory_space<vmem>>) target_semaphore(%run_scoped3A : memref<!tpu.dma_semaphore, #tpu.memory_space<semaphore_mem>>)
      tpu.wait_dma2 semaphore(%run_scoped3A : memref<!tpu.dma_semaphore, #tpu.memory_space<semaphore_mem>>) src(%arg3 : memref<1000xf32, #tpu.memory_space<hbm>>) dst(%arg6 : memref<1000xf32, #tpu.memory_space<vmem>>)
      tpu.yield
    }) : () -> ()
    %iota3A = tpu.iota {dimensions = array<i32: 0>} : vector<16xi32>
    %broadcast_in_dim3A = arith.constant 999 : i32
    %broadcast_in_dim3A_3 = vector.broadcast %broadcast_in_dim3A : i32 to vector<16xi32>
    %broadcast_in_dim3A_4 = arith.constant 32768 : i32
    %broadcast_in_dim3A_5 = vector.broadcast %broadcast_in_dim3A_4 : i32 to vector<16xi32>
    %broadcast_in_dim3A_6 = arith.constant 65535 : i32
    %broadcast_in_dim3A_7 = vector.broadcast %broadcast_in_dim3A_6 : i32 to vector<16xi32>
    %broadcast_in_dim3A_8 = arith.constant 16 : i32
    %broadcast_in_dim3A_9 = vector.broadcast %broadcast_in_dim3A_8 : i32 to vector<16xi32>
    %parallel_loop3A = arith.constant 0 : i32
    %parallel_loop3A_10 = arith.constant 1008 : i32
    %parallel_loop3A_11 = arith.constant 16 : i32
    scf.for %parallel_loop3A_74 = %parallel_loop3A to %parallel_loop3A_10 step %parallel_loop3A_11  : i32 {
      %parallel_loop3A_75 = vector.broadcast %parallel_loop3A_74 : i32 to vector<16xi32>
      %parallel_loop3A_76 = arith.addi %iota3A, %parallel_loop3A_75 : vector<16xi32>
      %parallel_loop3A_77 = arith.minsi %parallel_loop3A_76, %broadcast_in_dim3A_3 : vector<16xi32>
      %parallel_loop3A_78 = arith.constant 1 : i32
      %parallel_loop3A_79 = vector.broadcast %parallel_loop3A_78 : i32 to vector<16xi32>
      %parallel_loop3A_80 = arith.addi %parallel_loop3A_77, %parallel_loop3A_79 : vector<16xi32>
      %parallel_loop3A_81 = arith.minsi %parallel_loop3A_80, %broadcast_in_dim3A_3 : vector<16xi32>
      %parallel_loop3A_82 = tpu.vector_load_idx %arg6[%parallel_loop3A_77] : memref<1000xf32, #tpu.memory_space<vmem>>[vector<16xi32>], vector<16xf32>,
      %parallel_loop3A_83 = tpu.vector_load_idx %arg6[%parallel_loop3A_81] : memref<1000xf32, #tpu.memory_space<vmem>>[vector<16xi32>], vector<16xf32>,
      %parallel_loop3A_84 = arith.subf %parallel_loop3A_83, %parallel_loop3A_82 : vector<16xf32>
      %parallel_loop3A_85 = vector.bitcast %parallel_loop3A_84 : vector<16xf32> to vector<16xi32>
      %parallel_loop3A_86 = arith.addi %parallel_loop3A_85, %broadcast_in_dim3A_5 : vector<16xi32>
      %parallel_loop3A_87 = arith.shrui %parallel_loop3A_86, %broadcast_in_dim3A_9 : vector<16xi32>
      %parallel_loop3A_88 = arith.andi %parallel_loop3A_87, %broadcast_in_dim3A_7 : vector<16xi32>
      %parallel_loop3A_89 = vector.bitcast %parallel_loop3A_82 : vector<16xf32> to vector<16xi32>
      %parallel_loop3A_90 = arith.subi %parallel_loop3A_89, %parallel_loop3A_88 : vector<16xi32>
      %parallel_loop3A_91 = arith.addi %parallel_loop3A_90, %broadcast_in_dim3A_5 : vector<16xi32>
      %parallel_loop3A_92 = arith.shrui %parallel_loop3A_91, %broadcast_in_dim3A_9 : vector<16xi32>
      %parallel_loop3A_93 = arith.shli %parallel_loop3A_92, %broadcast_in_dim3A_9 : vector<16xi32>
      %parallel_loop3A_94 = arith.ori %parallel_loop3A_93, %parallel_loop3A_88 : vector<16xi32>
      %parallel_loop3A_95 = arith.index_cast %parallel_loop3A_74 : i32 to index
      %parallel_loop3A_96 = tpu.vector_load %arg7[%parallel_loop3A_95] {strides = array<i32>} : memref<1008xi32, #tpu.memory_space<vmem>>, vector<16xi32>,
      tpu.vector_store %arg7[%parallel_loop3A_95], %parallel_loop3A_94 {strides = array<i32>} : memref<1008xi32, #tpu.memory_space<vmem>>, vector<16xi32>,
    } {sc.loop_unroll_factor = 1 : i64, sc.parallel_access}
    %broadcast_in_dim3A_12 = arith.constant 3.996000e+02 : f32
    %broadcast_in_dim3A_13 = vector.broadcast %broadcast_in_dim3A_12 : f32 to vector<16xf32>
    %min3A = arith.constant 0 : i32
    %min3A_14 = arith.constant 15 : i32
    %min3A_15 = arith.minsi %min3A, %min3A_14 : i32
    %mul3A_16 = arith.constant 16384 : i32
    %mul3A_17 = arith.muli %min3A_15, %mul3A_16 : i32
    %add3A_18 = arith.addi %mul3A_2, %mul3A_17 : i32
    %dma_start3A = tpu.memref_slice %arg2[%add3A_18] : memref<8388608xf32, #tpu.memory_space<hbm>> -> memref<16384xf32, #tpu.memory_space<hbm>>
    %dma_start3A_19 = tpu.memref_slice %arg2[%add3A_18] : memref<8388608xf32, #tpu.memory_space<hbm>> -> memref<16384xf32, #tpu.memory_space<hbm>>
    tpu.enqueue_dma source(%dma_start3A_19 : memref<16384xf32, #tpu.memory_space<hbm>>) target(%arg8 : memref<16384xf32, #tpu.memory_space<vmem>>) target_semaphore(%arg12 : memref<!tpu.dma_semaphore, #tpu.memory_space<semaphore_mem>>)
    %min3A_20 = arith.constant 1 : i32
    %min3A_21 = arith.constant 15 : i32
    %min3A_22 = arith.minsi %min3A_20, %min3A_21 : i32
    %mul3A_23 = arith.constant 16384 : i32
    %mul3A_24 = arith.muli %min3A_22, %mul3A_23 : i32
    %add3A_25 = arith.addi %mul3A_2, %mul3A_24 : i32
    %dma_start3A_26 = tpu.memref_slice %arg2[%add3A_25] : memref<8388608xf32, #tpu.memory_space<hbm>> -> memref<16384xf32, #tpu.memory_space<hbm>>
    %dma_start3A_27 = tpu.memref_slice %arg2[%add3A_25] : memref<8388608xf32, #tpu.memory_space<hbm>> -> memref<16384xf32, #tpu.memory_space<hbm>>
    tpu.enqueue_dma source(%dma_start3A_27 : memref<16384xf32, #tpu.memory_space<hbm>>) target(%arg9 : memref<16384xf32, #tpu.memory_space<vmem>>) target_semaphore(%arg13 : memref<!tpu.dma_semaphore, #tpu.memory_space<semaphore_mem>>)
    %dma_wait3A = tpu.memref_slice %arg2[%mul3A_2] : memref<8388608xf32, #tpu.memory_space<hbm>> -> memref<16384xf32, #tpu.memory_space<hbm>>
    %dma_wait3A_28 = tpu.memref_slice %arg2[%mul3A_2] : memref<8388608xf32, #tpu.memory_space<hbm>> -> memref<16384xf32, #tpu.memory_space<hbm>>
    tpu.wait_dma2 semaphore(%arg12 : memref<!tpu.dma_semaphore, #tpu.memory_space<semaphore_mem>>) src(%dma_wait3A_28 : memref<16384xf32, #tpu.memory_space<hbm>>) dst(%arg8 : memref<16384xf32, #tpu.memory_space<vmem>>)
    %parallel_loop3A_29 = arith.constant 0 : i32
    %parallel_loop3A_30 = arith.constant 16384 : i32
    %parallel_loop3A_31 = arith.constant 16 : i32
    scf.for %parallel_loop3A_74 = %parallel_loop3A_29 to %parallel_loop3A_30 step %parallel_loop3A_31  : i32 {
      %parallel_loop3A_75 = arith.index_cast %parallel_loop3A_74 : i32 to index
      %parallel_loop3A_76 = tpu.vector_load %arg8[%parallel_loop3A_75] {strides = array<i32>} : memref<16384xf32, #tpu.memory_space<vmem>>, vector<16xf32>,
      %parallel_loop3A_77 = arith.mulf %parallel_loop3A_76, %broadcast_in_dim3A_13 : vector<16xf32>
      %parallel_loop3A_78 = arith.fptosi %parallel_loop3A_77 : vector<16xf32> to vector<16xi32>
      %parallel_loop3A_79 = arith.sitofp %parallel_loop3A_78 : vector<16xi32> to vector<16xf32>
      %parallel_loop3A_80 = arith.subf %parallel_loop3A_77, %parallel_loop3A_79 : vector<16xf32>
      %parallel_loop3A_81 = tpu.vector_load_idx %arg7[%parallel_loop3A_78] : memref<1008xi32, #tpu.memory_space<vmem>>[vector<16xi32>], vector<16xi32>,
      %parallel_loop3A_82 = vector.bitcast %parallel_loop3A_81 : vector<16xi32> to vector<16xf32>
      %parallel_loop3A_83 = arith.shli %parallel_loop3A_81, %broadcast_in_dim3A_9 : vector<16xi32>
      %parallel_loop3A_84 = vector.bitcast %parallel_loop3A_83 : vector<16xi32> to vector<16xf32>
      %parallel_loop3A_85 = arith.mulf %parallel_loop3A_84, %parallel_loop3A_80 : vector<16xf32>
      %parallel_loop3A_86 = arith.addf %parallel_loop3A_82, %parallel_loop3A_85 : vector<16xf32>
      %parallel_loop3A_87 = arith.index_cast %parallel_loop3A_74 : i32 to index
      %parallel_loop3A_88 = tpu.vector_load %arg10[%parallel_loop3A_87] {strides = array<i32>} : memref<16384xf32, #tpu.memory_space<vmem>>, vector<16xf32>,
      tpu.vector_store %arg10[%parallel_loop3A_87], %parallel_loop3A_86 {strides = array<i32>} : memref<16384xf32, #tpu.memory_space<vmem>>, vector<16xf32>,
    } {sc.loop_unroll_factor = 16 : i64, sc.parallel_access}
    %add3A_32 = arith.constant 0 : i32
    %add3A_33 = arith.addi %mul3A_2, %add3A_32 : i32
    %dma_start3A_34 = tpu.memref_slice %arg5[%add3A_33] : memref<8388608xf32, #tpu.memory_space<hbm>> -> memref<16384xf32, #tpu.memory_space<hbm>>
    %dma_start3A_35 = tpu.memref_slice %arg5[%add3A_33] : memref<8388608xf32, #tpu.memory_space<hbm>> -> memref<16384xf32, #tpu.memory_space<hbm>>
    tpu.enqueue_dma source(%arg10 : memref<16384xf32, #tpu.memory_space<vmem>>) target(%dma_start3A_35 : memref<16384xf32, #tpu.memory_space<hbm>>) target_semaphore(%arg14 : memref<!tpu.dma_semaphore, #tpu.memory_space<semaphore_mem>>)
    %min3A_36 = arith.constant 2 : i32
    %min3A_37 = arith.constant 15 : i32
    %min3A_38 = arith.minsi %min3A_36, %min3A_37 : i32
    %mul3A_39 = arith.constant 16384 : i32
    %mul3A_40 = arith.muli %min3A_38, %mul3A_39 : i32
    %add3A_41 = arith.addi %mul3A_2, %mul3A_40 : i32
    %dma_start3A_42 = tpu.memref_slice %arg2[%add3A_41] : memref<8388608xf32, #tpu.memory_space<hbm>> -> memref<16384xf32, #tpu.memory_space<hbm>>
    %dma_start3A_43 = tpu.memref_slice %arg2[%add3A_41] : memref<8388608xf32, #tpu.memory_space<hbm>> -> memref<16384xf32, #tpu.memory_space<hbm>>
    tpu.enqueue_dma source(%dma_start3A_43 : memref<16384xf32, #tpu.memory_space<hbm>>) target(%arg8 : memref<16384xf32, #tpu.memory_space<vmem>>) target_semaphore(%arg12 : memref<!tpu.dma_semaphore, #tpu.memory_space<semaphore_mem>>)
    %dma_wait3A_44 = tpu.memref_slice %arg2[%mul3A_2] : memref<8388608xf32, #tpu.memory_space<hbm>> -> memref<16384xf32, #tpu.memory_space<hbm>>
    %dma_wait3A_45 = tpu.memref_slice %arg2[%mul3A_2] : memref<8388608xf32, #tpu.memory_space<hbm>> -> memref<16384xf32, #tpu.memory_space<hbm>>
    tpu.wait_dma2 semaphore(%arg13 : memref<!tpu.dma_semaphore, #tpu.memory_space<semaphore_mem>>) src(%dma_wait3A_45 : memref<16384xf32, #tpu.memory_space<hbm>>) dst(%arg9 : memref<16384xf32, #tpu.memory_space<vmem>>)
    %parallel_loop3A_46 = arith.constant 0 : i32
    %parallel_loop3A_47 = arith.constant 16384 : i32
    %parallel_loop3A_48 = arith.constant 16 : i32
    scf.for %parallel_loop3A_74 = %parallel_loop3A_46 to %parallel_loop3A_47 step %parallel_loop3A_48  : i32 {
      %parallel_loop3A_75 = arith.index_cast %parallel_loop3A_74 : i32 to index
      %parallel_loop3A_76 = tpu.vector_load %arg9[%parallel_loop3A_75] {strides = array<i32>} : memref<16384xf32, #tpu.memory_space<vmem>>, vector<16xf32>,
      %parallel_loop3A_77 = arith.mulf %parallel_loop3A_76, %broadcast_in_dim3A_13 : vector<16xf32>
      %parallel_loop3A_78 = arith.fptosi %parallel_loop3A_77 : vector<16xf32> to vector<16xi32>
      %parallel_loop3A_79 = arith.sitofp %parallel_loop3A_78 : vector<16xi32> to vector<16xf32>
      %parallel_loop3A_80 = arith.subf %parallel_loop3A_77, %parallel_loop3A_79 : vector<16xf32>
      %parallel_loop3A_81 = tpu.vector_load_idx %arg7[%parallel_loop3A_78] : memref<1008xi32, #tpu.memory_space<vmem>>[vector<16xi32>], vector<16xi32>,
      %parallel_loop3A_82 = vector.bitcast %parallel_loop3A_81 : vector<16xi32> to vector<16xf32>
      %parallel_loop3A_83 = arith.shli %parallel_loop3A_81, %broadcast_in_dim3A_9 : vector<16xi32>
      %parallel_loop3A_84 = vector.bitcast %parallel_loop3A_83 : vector<16xi32> to vector<16xf32>
      %parallel_loop3A_85 = arith.mulf %parallel_loop3A_84, %parallel_loop3A_80 : vector<16xf32>
      %parallel_loop3A_86 = arith.addf %parallel_loop3A_82, %parallel_loop3A_85 : vector<16xf32>
      %parallel_loop3A_87 = arith.index_cast %parallel_loop3A_74 : i32 to index
      %parallel_loop3A_88 = tpu.vector_load %arg11[%parallel_loop3A_87] {strides = array<i32>} : memref<16384xf32, #tpu.memory_space<vmem>>, vector<16xf32>,
      tpu.vector_store %arg11[%parallel_loop3A_87], %parallel_loop3A_86 {strides = array<i32>} : memref<16384xf32, #tpu.memory_space<vmem>>, vector<16xf32>,
    } {sc.loop_unroll_factor = 16 : i64, sc.parallel_access}
    %add3A_49 = arith.constant 16384 : i32
    %add3A_50 = arith.addi %mul3A_2, %add3A_49 : i32
    %dma_start3A_51 = tpu.memref_slice %arg5[%add3A_50] : memref<8388608xf32, #tpu.memory_space<hbm>> -> memref<16384xf32, #tpu.memory_space<hbm>>
    %dma_start3A_52 = tpu.memref_slice %arg5[%add3A_50] : memref<8388608xf32, #tpu.memory_space<hbm>> -> memref<16384xf32, #tpu.memory_space<hbm>>
    tpu.enqueue_dma source(%arg11 : memref<16384xf32, #tpu.memory_space<vmem>>) target(%dma_start3A_52 : memref<16384xf32, #tpu.memory_space<hbm>>) target_semaphore(%arg15 : memref<!tpu.dma_semaphore, #tpu.memory_space<semaphore_mem>>)
    %min3A_53 = arith.constant 3 : i32
    %min3A_54 = arith.constant 15 : i32
    %min3A_55 = arith.minsi %min3A_53, %min3A_54 : i32
    %mul3A_56 = arith.constant 16384 : i32
    %mul3A_57 = arith.muli %min3A_55, %mul3A_56 : i32
    %add3A_58 = arith.addi %mul3A_2, %mul3A_57 : i32
    %dma_start3A_59 = tpu.memref_slice %arg2[%add3A_58] : memref<8388608xf32, #tpu.memory_space<hbm>> -> memref<16384xf32, #tpu.memory_space<hbm>>
    %dma_start3A_60 = tpu.memref_slice %arg2[%add3A_58] : memref<8388608xf32, #tpu.memory_space<hbm>> -> memref<16384xf32, #tpu.memory_space<hbm>>
    tpu.enqueue_dma source(%dma_start3A_60 : memref<16384xf32, #tpu.memory_space<hbm>>) target(%arg9 : memref<16384xf32, #tpu.memory_space<vmem>>) target_semaphore(%arg13 : memref<!tpu.dma_semaphore, #tpu.memory_space<semaphore_mem>>)
    %scan3A = arith.constant 0 : i32
    %scan3A_61 = arith.constant 1 : i32
    %scan3A_62 = arith.constant 7 : i32
    %scan3A_63 = arith.addi %scan3A_61, %scan3A_62 : i32
    %scan3A_64 = arith.constant 1 : i32
    scf.for %scan3A_74 = %scan3A_61 to %scan3A_63 step %scan3A_64  : i32 {
      %mul3A_75 = arith.constant 2 : i32
      %mul3A_76 = arith.muli %scan3A_74, %mul3A_75 : i32
      %dma_wait3A_77 = tpu.memref_slice %arg2[%mul3A_2] : memref<8388608xf32, #tpu.memory_space<hbm>> -> memref<16384xf32, #tpu.memory_space<hbm>>
      %dma_wait3A_78 = tpu.memref_slice %arg2[%mul3A_2] : memref<8388608xf32, #tpu.memory_space<hbm>> -> memref<16384xf32, #tpu.memory_space<hbm>>
      tpu.wait_dma2 semaphore(%arg12 : memref<!tpu.dma_semaphore, #tpu.memory_space<semaphore_mem>>) src(%dma_wait3A_78 : memref<16384xf32, #tpu.memory_space<hbm>>) dst(%arg8 : memref<16384xf32, #tpu.memory_space<vmem>>)
      %dma_wait3A_79 = tpu.memref_slice %arg5[%mul3A_2] : memref<8388608xf32, #tpu.memory_space<hbm>> -> memref<16384xf32, #tpu.memory_space<hbm>>
      %dma_wait3A_80 = tpu.memref_slice %arg5[%mul3A_2] : memref<8388608xf32, #tpu.memory_space<hbm>> -> memref<16384xf32, #tpu.memory_space<hbm>>
      tpu.wait_dma2 semaphore(%arg14 : memref<!tpu.dma_semaphore, #tpu.memory_space<semaphore_mem>>) src(%arg10 : memref<16384xf32, #tpu.memory_space<vmem>>) dst(%dma_wait3A_80 : memref<16384xf32, #tpu.memory_space<hbm>>)
      %parallel_loop3A_81 = arith.constant 0 : i32
      %parallel_loop3A_82 = arith.constant 16384 : i32
      %parallel_loop3A_83 = arith.constant 16 : i32
      scf.for %parallel_loop3A_127 = %parallel_loop3A_81 to %parallel_loop3A_82 step %parallel_loop3A_83  : i32 {
        %parallel_loop3A_128 = arith.index_cast %parallel_loop3A_127 : i32 to index
        %parallel_loop3A_129 = tpu.vector_load %arg8[%parallel_loop3A_128] {strides = array<i32>} : memref<16384xf32, #tpu.memory_space<vmem>>, vector<16xf32>,
        %parallel_loop3A_130 = arith.mulf %parallel_loop3A_129, %broadcast_in_dim3A_13 : vector<16xf32>
        %parallel_loop3A_131 = arith.fptosi %parallel_loop3A_130 : vector<16xf32> to vector<16xi32>
        %parallel_loop3A_132 = arith.sitofp %parallel_loop3A_131 : vector<16xi32> to vector<16xf32>
        %parallel_loop3A_133 = arith.subf %parallel_loop3A_130, %parallel_loop3A_132 : vector<16xf32>
        %parallel_loop3A_134 = tpu.vector_load_idx %arg7[%parallel_loop3A_131] : memref<1008xi32, #tpu.memory_space<vmem>>[vector<16xi32>], vector<16xi32>,
        %parallel_loop3A_135 = vector.bitcast %parallel_loop3A_134 : vector<16xi32> to vector<16xf32>
        %parallel_loop3A_136 = arith.shli %parallel_loop3A_134, %broadcast_in_dim3A_9 : vector<16xi32>
        %parallel_loop3A_137 = vector.bitcast %parallel_loop3A_136 : vector<16xi32> to vector<16xf32>
        %parallel_loop3A_138 = arith.mulf %parallel_loop3A_137, %parallel_loop3A_133 : vector<16xf32>
        %parallel_loop3A_139 = arith.addf %parallel_loop3A_135, %parallel_loop3A_138 : vector<16xf32>
        %parallel_loop3A_140 = arith.index_cast %parallel_loop3A_127 : i32 to index
        %parallel_loop3A_141 = tpu.vector_load %arg10[%parallel_loop3A_140] {strides = array<i32>} : memref<16384xf32, #tpu.memory_space<vmem>>, vector<16xf32>,
        tpu.vector_store %arg10[%parallel_loop3A_140], %parallel_loop3A_139 {strides = array<i32>} : memref<16384xf32, #tpu.memory_space<vmem>>, vector<16xf32>,
      } {sc.loop_unroll_factor = 16 : i64, sc.parallel_access}
      %add3A_84 = arith.constant 0 : i32
      %add3A_85 = arith.addi %mul3A_76, %add3A_84 : i32
      %mul3A_86 = arith.constant 16384 : i32
      %mul3A_87 = arith.muli %add3A_85, %mul3A_86 : i32
      %add3A_88 = arith.addi %mul3A_2, %mul3A_87 : i32
      %dma_start3A_89 = tpu.memref_slice %arg5[%add3A_88] : memref<8388608xf32, #tpu.memory_space<hbm>> -> memref<16384xf32, #tpu.memory_space<hbm>>
      %dma_start3A_90 = tpu.memref_slice %arg5[%add3A_88] : memref<8388608xf32, #tpu.memory_space<hbm>> -> memref<16384xf32, #tpu.memory_space<hbm>>
      tpu.enqueue_dma source(%arg10 : memref<16384xf32, #tpu.memory_space<vmem>>) target(%dma_start3A_90 : memref<16384xf32, #tpu.memory_space<hbm>>) target_semaphore(%arg14 : memref<!tpu.dma_semaphore, #tpu.memory_space<semaphore_mem>>)
      %add3A_91 = arith.constant 0 : i32
      %add3A_92 = arith.addi %mul3A_76, %add3A_91 : i32
      %add3A_93 = arith.constant 2 : i32
      %add3A_94 = arith.addi %add3A_92, %add3A_93 : i32
      %min3A_95 = arith.constant 15 : i32
      %min3A_96 = arith.minsi %add3A_94, %min3A_95 : i32
      %mul3A_97 = arith.constant 16384 : i32
      %mul3A_98 = arith.muli %min3A_96, %mul3A_97 : i32
      %add3A_99 = arith.addi %mul3A_2, %mul3A_98 : i32
      %dma_start3A_100 = tpu.memref_slice %arg2[%add3A_99] : memref<8388608xf32, #tpu.memory_space<hbm>> -> memref<16384xf32, #tpu.memory_space<hbm>>
      %dma_start3A_101 = tpu.memref_slice %arg2[%add3A_99] : memref<8388608xf32, #tpu.memory_space<hbm>> -> memref<16384xf32, #tpu.memory_space<hbm>>
      tpu.enqueue_dma source(%dma_start3A_101 : memref<16384xf32, #tpu.memory_space<hbm>>) target(%arg8 : memref<16384xf32, #tpu.memory_space<vmem>>) target_semaphore(%arg12 : memref<!tpu.dma_semaphore, #tpu.memory_space<semaphore_mem>>)
      %dma_wait3A_102 = tpu.memref_slice %arg2[%mul3A_2] : memref<8388608xf32, #tpu.memory_space<hbm>> -> memref<16384xf32, #tpu.memory_space<hbm>>
      %dma_wait3A_103 = tpu.memref_slice %arg2[%mul3A_2] : memref<8388608xf32, #tpu.memory_space<hbm>> -> memref<16384xf32, #tpu.memory_space<hbm>>
      tpu.wait_dma2 semaphore(%arg13 : memref<!tpu.dma_semaphore, #tpu.memory_space<semaphore_mem>>) src(%dma_wait3A_103 : memref<16384xf32, #tpu.memory_space<hbm>>) dst(%arg9 : memref<16384xf32, #tpu.memory_space<vmem>>)
      %dma_wait3A_104 = tpu.memref_slice %arg5[%mul3A_2] : memref<8388608xf32, #tpu.memory_space<hbm>> -> memref<16384xf32, #tpu.memory_space<hbm>>
      %dma_wait3A_105 = tpu.memref_slice %arg5[%mul3A_2] : memref<8388608xf32, #tpu.memory_space<hbm>> -> memref<16384xf32, #tpu.memory_space<hbm>>
      tpu.wait_dma2 semaphore(%arg15 : memref<!tpu.dma_semaphore, #tpu.memory_space<semaphore_mem>>) src(%arg11 : memref<16384xf32, #tpu.memory_space<vmem>>) dst(%dma_wait3A_105 : memref<16384xf32, #tpu.memory_space<hbm>>)
      %parallel_loop3A_106 = arith.constant 0 : i32
      %parallel_loop3A_107 = arith.constant 16384 : i32
      %parallel_loop3A_108 = arith.constant 16 : i32
      scf.for %parallel_loop3A_127 = %parallel_loop3A_106 to %parallel_loop3A_107 step %parallel_loop3A_108  : i32 {
        %parallel_loop3A_128 = arith.index_cast %parallel_loop3A_127 : i32 to index
        %parallel_loop3A_129 = tpu.vector_load %arg9[%parallel_loop3A_128] {strides = array<i32>} : memref<16384xf32, #tpu.memory_space<vmem>>, vector<16xf32>,
        %parallel_loop3A_130 = arith.mulf %parallel_loop3A_129, %broadcast_in_dim3A_13 : vector<16xf32>
        %parallel_loop3A_131 = arith.fptosi %parallel_loop3A_130 : vector<16xf32> to vector<16xi32>
        %parallel_loop3A_132 = arith.sitofp %parallel_loop3A_131 : vector<16xi32> to vector<16xf32>
        %parallel_loop3A_133 = arith.subf %parallel_loop3A_130, %parallel_loop3A_132 : vector<16xf32>
        %parallel_loop3A_134 = tpu.vector_load_idx %arg7[%parallel_loop3A_131] : memref<1008xi32, #tpu.memory_space<vmem>>[vector<16xi32>], vector<16xi32>,
        %parallel_loop3A_135 = vector.bitcast %parallel_loop3A_134 : vector<16xi32> to vector<16xf32>
        %parallel_loop3A_136 = arith.shli %parallel_loop3A_134, %broadcast_in_dim3A_9 : vector<16xi32>
        %parallel_loop3A_137 = vector.bitcast %parallel_loop3A_136 : vector<16xi32> to vector<16xf32>
        %parallel_loop3A_138 = arith.mulf %parallel_loop3A_137, %parallel_loop3A_133 : vector<16xf32>
        %parallel_loop3A_139 = arith.addf %parallel_loop3A_135, %parallel_loop3A_138 : vector<16xf32>
        %parallel_loop3A_140 = arith.index_cast %parallel_loop3A_127 : i32 to index
        %parallel_loop3A_141 = tpu.vector_load %arg11[%parallel_loop3A_140] {strides = array<i32>} : memref<16384xf32, #tpu.memory_space<vmem>>, vector<16xf32>,
        tpu.vector_store %arg11[%parallel_loop3A_140], %parallel_loop3A_139 {strides = array<i32>} : memref<16384xf32, #tpu.memory_space<vmem>>, vector<16xf32>,
      } {sc.loop_unroll_factor = 16 : i64, sc.parallel_access}
      %add3A_109 = arith.constant 1 : i32
      %add3A_110 = arith.addi %mul3A_76, %add3A_109 : i32
      %mul3A_111 = arith.constant 16384 : i32
      %mul3A_112 = arith.muli %add3A_110, %mul3A_111 : i32
      %add3A_113 = arith.addi %mul3A_2, %mul3A_112 : i32
      %dma_start3A_114 = tpu.memref_slice %arg5[%add3A_113] : memref<8388608xf32, #tpu.memory_space<hbm>> -> memref<16384xf32, #tpu.memory_space<hbm>>
      %dma_start3A_115 = tpu.memref_slice %arg5[%add3A_113] : memref<8388608xf32, #tpu.memory_space<hbm>> -> memref<16384xf32, #tpu.memory_space<hbm>>
      tpu.enqueue_dma source(%arg11 : memref<16384xf32, #tpu.memory_space<vmem>>) target(%dma_start3A_115 : memref<16384xf32, #tpu.memory_space<hbm>>) target_semaphore(%arg15 : memref<!tpu.dma_semaphore, #tpu.memory_space<semaphore_mem>>)
      %add3A_116 = arith.constant 1 : i32
      %add3A_117 = arith.addi %mul3A_76, %add3A_116 : i32
      %add3A_118 = arith.constant 2 : i32
      %add3A_119 = arith.addi %add3A_117, %add3A_118 : i32
      %min3A_120 = arith.constant 15 : i32
      %min3A_121 = arith.minsi %add3A_119, %min3A_120 : i32
      %mul3A_122 = arith.constant 16384 : i32
      %mul3A_123 = arith.muli %min3A_121, %mul3A_122 : i32
      %add3A_124 = arith.addi %mul3A_2, %mul3A_123 : i32
      %dma_start3A_125 = tpu.memref_slice %arg2[%add3A_124] : memref<8388608xf32, #tpu.memory_space<hbm>> -> memref<16384xf32, #tpu.memory_space<hbm>>
      %dma_start3A_126 = tpu.memref_slice %arg2[%add3A_124] : memref<8388608xf32, #tpu.memory_space<hbm>> -> memref<16384xf32, #tpu.memory_space<hbm>>
      tpu.enqueue_dma source(%dma_start3A_126 : memref<16384xf32, #tpu.memory_space<hbm>>) target(%arg9 : memref<16384xf32, #tpu.memory_space<vmem>>) target_semaphore(%arg13 : memref<!tpu.dma_semaphore, #tpu.memory_space<semaphore_mem>>)
    }
    %scan3A_65 = arith.constant 7 : i32
    %dma_wait3A_66 = tpu.memref_slice %arg2[%mul3A_2] : memref<8388608xf32, #tpu.memory_space<hbm>> -> memref<16384xf32, #tpu.memory_space<hbm>>
    %dma_wait3A_67 = tpu.memref_slice %arg2[%mul3A_2] : memref<8388608xf32, #tpu.memory_space<hbm>> -> memref<16384xf32, #tpu.memory_space<hbm>>
    tpu.wait_dma2 semaphore(%arg12 : memref<!tpu.dma_semaphore, #tpu.memory_space<semaphore_mem>>) src(%dma_wait3A_67 : memref<16384xf32, #tpu.memory_space<hbm>>) dst(%arg8 : memref<16384xf32, #tpu.memory_space<vmem>>)
    %dma_wait3A_68 = tpu.memref_slice %arg5[%mul3A_2] : memref<8388608xf32, #tpu.memory_space<hbm>> -> memref<16384xf32, #tpu.memory_space<hbm>>
    %dma_wait3A_69 = tpu.memref_slice %arg5[%mul3A_2] : memref<8388608xf32, #tpu.memory_space<hbm>> -> memref<16384xf32, #tpu.memory_space<hbm>>
    tpu.wait_dma2 semaphore(%arg14 : memref<!tpu.dma_semaphore, #tpu.memory_space<semaphore_mem>>) src(%arg10 : memref<16384xf32, #tpu.memory_space<vmem>>) dst(%dma_wait3A_69 : memref<16384xf32, #tpu.memory_space<hbm>>)
    %dma_wait3A_70 = tpu.memref_slice %arg2[%mul3A_2] : memref<8388608xf32, #tpu.memory_space<hbm>> -> memref<16384xf32, #tpu.memory_space<hbm>>
    %dma_wait3A_71 = tpu.memref_slice %arg2[%mul3A_2] : memref<8388608xf32, #tpu.memory_space<hbm>> -> memref<16384xf32, #tpu.memory_space<hbm>>
    tpu.wait_dma2 semaphore(%arg13 : memref<!tpu.dma_semaphore, #tpu.memory_space<semaphore_mem>>) src(%dma_wait3A_71 : memref<16384xf32, #tpu.memory_space<hbm>>) dst(%arg9 : memref<16384xf32, #tpu.memory_space<vmem>>)
    %dma_wait3A_72 = tpu.memref_slice %arg5[%mul3A_2] : memref<8388608xf32, #tpu.memory_space<hbm>> -> memref<16384xf32, #tpu.memory_space<hbm>>
    %dma_wait3A_73 = tpu.memref_slice %arg5[%mul3A_2] : memref<8388608xf32, #tpu.memory_space<hbm>> -> memref<16384xf32, #tpu.memory_space<hbm>>
    tpu.wait_dma2 semaphore(%arg15 : memref<!tpu.dma_semaphore, #tpu.memory_space<semaphore_mem>>) src(%arg11 : memref<16384xf32, #tpu.memory_space<vmem>>) dst(%dma_wait3A_73 : memref<16384xf32, #tpu.memory_space<hbm>>)
    return
  }
}

</mosaic_0001>

<sc_bundles>
// kernel: kernel.3.cloned.1.call-start
scs
__scs_entry_jumppad:
0x0: {  	(pc) =	sbr.rel $0x88, $3  }
0x1: {  	(tag) =	ssettag $0x0;
	lr =	simm.s32 $0x1  }
0x2: {  	[smem:$0x3F9E] =	sst lr;
	_ =	strace $0xD0000000  }
0x3: {  	_ = 	snop  }
0x4: {  	_ = 	snop  }
0x5: {  	_ = 	snop  }
0x6: {  	_ = 	snop  }
0x7: {  	_ = 	snop  }
__scs_overlays_trampoline_lowered:
0x8: {  	[smem:$0x3FAD] =	sst s0  }
0x9: {  	[smem:$0x3FAE] =	sst s1  }
0xa: {  	[smem:$0x3FAF] =	sst s2  }
0xb: {  	[smem:$0x3FB0] =	sst s3  }
0xc: {  	[smem:$0x3FB1] =	sst s4  }
0xd: {  	[smem:$0x3FB2] =	sst s5  }
0xe: {  	[smem:$0x3FB3] =	sst s6  }
0xf: {  	[smem:$0x3FB4] =	sst s7  }
0x10: {  	[smem:$0x3FB5] =	sst s8  }
0x11: {  	[smem:$0x3FB6] =	sst s9;
	s0 =	simm.s32 @!p0 $0x0  }
0x12: {  	s1 =	sld [smem:$0x3F9C];
	s0 =	simm.s32 @p0 $0x1  }
0x13: {  	[smem:$0x3FB7] =	sst s0;
	s0 =	simm.s32 @!p1 $0x0  }
0x14: {  	s2 =	sld [smem:$0x3F9B];
	s0 =	simm.s32 @p1 $0x1  }
0x15: {  	[smem:$0x3FB8] =	sst s0;
	s0 =	simm.s32 @!p2 $0x0  }
0x16: {  	s3 =	sld [smem:$0x3FDB];
	s0 =	simm.s32 @p2 $0x1  }
0x17: {  	s4 =	simm.s32 $0x1BF5;
	[smem:$0x3FBA] =	sst s0  }
0x18: {  	s0 =	sld [smem:$0x3F9D];
	_ =	swait.ge [sflag:s4], $0x0  }
0x19: {  	s7 =	sld [smem:$0x3F9E]  }
0x1a: {  	s8 =	sadd.s32 $0xFFFFE003, lr  }
0x1b: {  	s9 =	sadd.s32 $0xFFFFFEF7, lr;
	s5 =	simm.s32 $0xFFFFFFFF;
	p2 =	slt.u32 s8, $0xFFFFF086  }
0x1c: {  	p1 =	slt.u32 s9, $0xF7A;
	s5 =	simm.s32 @!p2 $0x0  }
0x1d: {  	s5 =	simm.s32 @p1 $0x1;
	p0 =	seq.s32 s7, s2  }
0x1e: {  	s7 =	smul.u32 @!p0 $0xF7A, s2;
	p2 =	seq.s32 @!p0 s5, $0x0  }
0x1f: {  	s9 =	smul.u32 $0xF7A, s1;
	s8 =	simm.s32 @!p0 $0x1BF5;
	p2 =	por !p2, p0  }
0x20: {  	[sflag:s8] =	ssyncset.s32 @!p0 $0xFFFFF086;
	s6 =	sadd.s32 @!p0 s3, s7;
	s7 =	simm.s32 @!p0 $0x108  }
0x21: {  	s3 =	sadd.s32 s3, s9;
	s6 =	sadd.s32 @!p0 $0x88, s6;
	s7 =	simm.s32 @p2 $0x1082  }
0x22: {  	[simem:s7], [sflag:s8] =	dma.local @!p0 [hbm:s6], $0xF7A  }
0x23: {  	s9 =	sor.u32 $0xD0000000, s2;
	s6 =	simm.s32 $0x108;
	_ =	swait.ge @!p0 [sflag:s8], $0x0  }
0x24: {  	s3 =	sadd.s32 $0x88, s3;
	s6 =	simm.s32 @!p1 $0x1082;
	[sflag:s4] =	ssyncset.s32 $0xFFFFF086  }
0x25: {  	[simem:s6], [sflag:s4] =	dma.local [hbm:s3], $0xF7A  }
0x26: {  	[smem:$0x3F9E] =	sst s1;
	(tag) =	ssettag s2;
	_ =	strace s9  }
0x27: {  	s1 =	sld [smem:$0x3FAE]  }
0x28: {  	s2 =	sld [smem:$0x3FAF]  }
0x29: {  	s4 =	sld [smem:$0x3FB1]  }
0x2a: {  	p0 =	seq.s32 s5, $0x0;
	s5 =	sld [smem:$0x3FB2]  }
0x2b: {  	s6 =	sld [smem:$0x3FB3]  }
0x2c: {  	s7 =	sld [smem:$0x3FB4]  }
0x2d: {  	s3 =	simm.s32 $0x108;
	s8 =	sld [smem:$0x3FB5]  }
0x2e: {  	s3 =	simm.s32 @!p0 $0x1082;
	s9 =	sld [smem:$0x3FB6]  }
0x2f: {  	lr =	sadd.s32 s0, s3;
	s0 =	sld [smem:$0x3FAD]  }
0x30: {  	s3 =	sld [smem:$0x3FB0]  }
0x31: {  	[smem:$0x3FB9] =	sst s10  }
0x32: {  	s10 =	sld [smem:$0x3FB7];
	_ =	sdelay $0x3  }
0x33: {  	p0 =	seq.s32 s10, $0x1;
	s10 =	sld [smem:$0x3FB9];
	_ =	sdelay $0x3  }
0x34: {  	[smem:$0x3FB9] =	sst s10  }
0x35: {  	s10 =	sld [smem:$0x3FB8];
	_ =	sdelay $0x3  }
0x36: {  	p1 =	seq.s32 s10, $0x1;
	s10 =	sld [smem:$0x3FB9];
	_ =	sdelay $0x3  }
0x37: {  	[smem:$0x3FB9] =	sst s10  }
0x38: {  	s10 =	sld [smem:$0x3FBA]  }
0x39: {  	_ = 	snop;
	(pc) =	sbr.ind lr, $3  }
0x3a: {  	_ = 	snop  }
0x3b: {  	_ = 	snop  }
0x3c: {  	p2 =	seq.s32 s10, $0x1;
	s10 =	sld [smem:$0x3FB9]  }
0x3d: {  	_ =	shalt  }
0x3e: {  	_ =	shalt  }
0x3f: {  	_ =	shalt  }
0x40: {  	_ =	shalt  }
0x41: {  	_ =	shalt  }
0x42: {  	_ =	shalt  }
0x43: {  	_ =	shalt  }
0x44: {  	_ =	shalt  }
0x45: {  	_ =	shalt  }
0x46: {  	_ =	shalt  }
0x47: {  	_ =	shalt  }
0x48: {  	_ =	shalt  }
0x49: {  	_ =	shalt  }
0x4a: {  	_ =	shalt  }
0x4b: {  	_ =	shalt  }
0x4c: {  	_ =	shalt  }
0x4d: {  	_ =	shalt  }
0x4e: {  	_ =	shalt  }
0x4f: {  	_ =	shalt  }
0x50: {  	_ =	shalt  }
0x51: {  	_ =	shalt  }
0x52: {  	_ =	shalt  }
0x53: {  	_ =	shalt  }
0x54: {  	_ =	shalt  }
0x55: {  	_ =	shalt  }
0x56: {  	_ =	shalt  }
0x57: {  	_ =	shalt  }
0x58: {  	_ =	shalt  }
0x59: {  	_ =	shalt  }
0x5a: {  	_ =	shalt  }
0x5b: {  	_ =	shalt  }
0x5c: {  	_ =	shalt  }
0x5d: {  	_ =	shalt  }
0x5e: {  	_ =	shalt  }
0x5f: {  	_ =	shalt  }
0x60: {  	_ =	shalt  }
0x61: {  	_ =	shalt  }
0x62: {  	_ =	shalt  }
0x63: {  	_ =	shalt  }
0x64: {  	_ =	shalt  }
0x65: {  	_ =	shalt  }
0x66: {  	_ =	shalt  }
0x67: {  	_ =	shalt  }
0x68: {  	_ =	shalt  }
0x69: {  	_ =	shalt  }
0x6a: {  	_ =	shalt  }
0x6b: {  	_ =	shalt  }
0x6c: {  	_ =	shalt  }
0x6d: {  	_ =	shalt  }
0x6e: {  	_ =	shalt  }
0x6f: {  	_ =	shalt  }
0x70: {  	_ =	shalt  }
0x71: {  	_ =	shalt  }
0x72: {  	_ =	shalt  }
0x73: {  	_ =	shalt  }
0x74: {  	_ =	shalt  }
0x75: {  	_ =	shalt  }
0x76: {  	_ =	shalt  }
0x77: {  	_ =	shalt  }
0x78: {  	_ =	shalt  }
0x79: {  	_ =	shalt  }
0x7a: {  	_ =	shalt  }
0x7b: {  	_ =	shalt  }
0x7c: {  	_ =	shalt  }
0x7d: {  	_ =	shalt  }
0x7e: {  	_ =	shalt  }
0x7f: {  	_ =	shalt  }
0x80: {  	_ =	shalt  }
0x81: {  	_ =	shalt  }
0x82: {  	_ =	shalt  }
0x83: {  	_ =	shalt  }
0x84: {  	_ =	shalt  }
0x85: {  	_ =	shalt  }
0x86: {  	_ =	shalt  }
0x87: {  	_ =	shalt  }
.Lfunc_end0:
.L_simem_size_0:
called_computation_lowered:
.L_overlay_start_0:
0x88: {  	s2 =	sld [smem:$0x3FD9]  }
0x89: {  	s3 =	sld [smem:$0x3FFE];
	_ =	sdelay $0x1  }
0x8a: {  	s1 =	srdreg.scid  }
0x8b: {  	s0 =	sand.u32 $0x1, s1  }
0x8c: {  	s18 =	sshll.u32 s0, $0xA;
	s2 =	sadd.s32 s3, s2  }
0x8d: {  	s2 =	sadd.s32 s2, s18  }
0x8e: {  	[smem:$0x3FC5] =	sst s2  }
0x8f: {  	_ = 	snop  }
0x90: {  	s2 =	sld [smem:$0x3FC9]  }
0x91: {  	s19 =	sld [smem:$0x3FC8]  }
0x92: {  	s4 =	sld [smem:$0x3FD0];
	(tm) =	ssettm $0x1  }
0x93: {  	s5 =	sld [smem:$0x3FFB];
	_ =	sdelay $0x3  }
0x94: {  	_ =	strace s5  }
0x95: {  	s5 =	sld [smem:$0x3FFC];
	_ =	sdelay $0x3  }
0x96: {  	_ =	strace s5  }
0x97: {  	s5 =	sld [smem:$0x3FFD];
	_ =	sdelay $0x3  }
0x98: {  	_ =	strace s5  }
0x99: {  	_ =	strace $0x8FFFFFFF  }
0x9a: {  	s20 =	sld [smem:$0x3FDB];
	_ =	sdelay $0x1  }
0x9b: {  	s6 =	simm.s32 $_scs_section_size  }
0x9c: {  	s7 =	simm.s32 $_size__tile_overlayer_lowered;
	s8 =	simm.s32 $_tile_overlayer_lowered  }
0x9d: {  	s23 =	simm.s32 $0x1BFF;
	s22 =	sshll.u32 s8, $0x1;
	s5 =	sadd.s32 s6, s20  }
0x9e: {  	s9 =	simm.s32 $0x0;
	s21 =	sshll.u32 s7, $0x1;
	s7 =	sadd.s32 s22, s5  }
0x9f: {  	[timem:s9], [sflag:s23] =	dma.local [hbm:s7], s21  }
0xa0: {  	_ =	swait.ge [sflag:s23], s21  }
0xa1: {  	s6 =	ssub.s32 $0x0, s21;
	[sflag:s23] =	ssyncset.done $0x0  }
0xa2: {  	[sflag:s23] =	ssyncadd.s32 s6;
	_ =	sdelay $0x1  }
0xa3: {  	s24 =	simm.s32 $0x1B8B  }
0xa4: {  	_ =	swait.ge [sflag:s24], $0x1  }
0xa5: {  	[sflag:s24] =	ssyncset.done $0x0  }
0xa6: {  	s25 =	simm.s32 $0x1B8E;
	[sflag:s24] =	ssyncadd.s32 $0xFFFFFFFF  }
0xa7: {  	s26 =	simm.s32 $execute0_lowered;
	[smem:$0x3FD2] =	sst s25  }
0xa8: {  	s6 =	sshll.u32 s26, $0x1;
	_ =	strace $0x80000046;
	[dreg:$0x1] =	wrdreg $0xFFFFFFFF  }
0xa9: {  	s28 =	simm.s32 $_size_execute0_lowered;
	s5 =	sadd.s32 s5, s6;
	[dreg:$0x0] =	wrdreg $0x0  }
0xaa: {  	s6 =	sshll.u32 s28, $0x1;
	[dreg:$0x2] =	wrdreg s5  }
0xab: {  	[dreg:$0x3] =	wrdreg s6  }
0xac: {  	[dreg:$0x4] =	wrdreg $0xC0  }
0xad: {  	_ =	task [dreg:s9], $0x5FFFF  }
0xae: {  	[dreg:$0x1] =	wrdreg $0xFFFFFFFF  }
0xaf: {  	[dreg:$0x0] =	wrdreg $0x60  }
0xb0: {  	[dreg:$0x2] =	wrdreg s2  }
0xb1: {  	[dreg:$0x3] =	wrdreg s19  }
0xb2: {  	[dreg:$0x4] =	wrdreg s4  }
0xb3: {  	[dreg:$0x5] =	wrdreg $0x9  }
0xb4: {  	_ =	task.clear_ibuf [dreg:s9], $0x6FFFF;
	_ =	strace $0x90000046  }
0xb5: {  	s29 =	simm.s32 $0x9;
	_ =	strace $0x80000048  }
0xb6: {  	_ =	swait.ge [sflag:s29], $0x1  }
0xb7: {  	[sflag:s29] =	ssyncadd.s32 $0xFFFFFFFF  }
0xb8: {  	_ =	strace $0x90000048  }
0xb9: {  	_ =	sfence  }
0xba: {  	s30 =	sld [smem:$0x0];
	_ =	sdelay $0x2  }
0xbb: {  	s31 =	sshll.u32 s1, $0xD;
	s1 =	sshrl.u32 s1, $0x2  }
0xbc: {  	s3 =	sand.u32 $0x4000, s31;
	s1 =	sadd.s32 s1, s30  }
0xbd: {  	s0 =	sor.u32 s3, s0;
	s1 =	sshll.u32 s1, $0x11  }
0xbe: {  	s0 =	sor.u32 s1, s0  }
0xbf: {  	s0 =	sadd.s32 $0x8F2B, s0  }
0xc0: {  	[sflag:s0] =	ssyncadd.remote.s32 $0x1  }
0xc1: {  	_ =	sfence.sel $0xFFFF  }
0xc2: {  	[dreg:$0x0] =	wrdreg $0xFFFFFFFF;
	(pc) =	sbr.abs _section_cstart, $3  }
0xc3: {  	[dreg:$0x1] =	wrdreg $0xFFFFFFFF  }
0xc4: {  	_ =	task.clear_ibuf [dreg:s9], $0x2FFFF;
	_ =	strace $0x9FFFFFFF  }
0xc5: {  	(tm) =	ssettm $0x7FFFFFFF  }
tec
execute0_lowered:
.L_overlay_start_1:
0x0: {  	(tag) =	ssettag $0x1  }
0x1: {  	s1 =	rddreg [dreg:$0x0]  }
0x2: {  	s0 =	srdreg.scid;
	s2 =	stileid.u32  }
0x3: {  	s4 =	rddreg [dreg:$0x2];
	s5 =	simm.s32 $0x0;
	s16 =	simm.s32 $0x5  }
0x4: {  	s17 =	simm.s32 $0x800;
	s18 =	simm.s32 $0x4800;
	s19 =	simm.s32 $0x1  }
0x5: {  	s20 =	simm.s32 $0x400;
	s21 =	simm.s32 $0x8800;
	s22 =	simm.s32 $0x2  }
0x6: {  	s23 =	simm.s32 $0xC800;
	s24 =	simm.s32 $0x3;
	s25 =	simm.s32 $0x4  }
0x7: {  	s26 =	simm.s32 $0x0;
	s0 =	sand.u32 $0x1, s0;
	s2 =	sshll.u32 s2, $0x13  }
0x8: {  	[smem:$0x7FF] =	sst s5;
	s3 =	sshll.u32 s0, $0x12;
	s0 =	ssub.s32 $0x2, s0  }
0x9: {  	_ =	strace $0x80000047;
	s6 =	sor.u32 s3, s2;
	s31 =	sshrl.u32 s0, $0x1  }
0xa: {  	s2 =	sshrl.u32 s6, $0x3;
	s0 =	ssub.s32 s0, s31;
	s13 =	sor.u32 $0x8000, s6  }
0xb: {  	s14 =	sor.u32 $0xC000, s6;
	s11 =	sor.u32 $0x800, s2;
	s7 =	sadd.s32 s1, s2  }
0xc: {  	s9 =	sadd.s32 s4, s2;
	s15 =	smax.u32 s0, $0x1;
	s8 =	sadd.s32 s1, s11  }
0xd: {  	v0 =	vlaneseq.u32;
	s10 =	sadd.s32 $0x1000, s7;
	s11 =	sadd.s32 s4, s11;
	s12 =	sadd.s32 $0x1800, s7  }
.LBB2_1:
0xe: {  	s0 =	simm.s32 $0x0  }
0xf: {  	v1 =	vor.u32 s0, v0  }
0x10: {  	vm0 =	vlt.s32 v1, $0x3E7;
	vm1 =	vlt.s32 v1, $0x3E6  }
0x11: {  	s29 =	rddreg [dreg:$0x1];
	v2 =	vnsel vm0, $0x3E7, v1;
	v1 =	vnsel vm1, $0x3E6, v1  }
0x12: {  	[tilespmem:s5], [sflag:$0x5] =	stream.linear.gather [hbm4b:s29+s5], $0x400, $0x38;
	v1 =	vadd.s32 $0x1, v1;
	[tilespmem:$0x10800] =	vst v63  }
0x13: {  	_ =	swait.ge [sflag:s16], $0x400  }
0x14: {  	[sflag:s16] =	ssyncset.done $0x0  }
0x15: {  	s30 =	simm.s32 $0x10;
	[sflag:s16] =	ssyncadd.s32 $0xFFFFFC00  }
0x16: {  	v3 =	vor.u32 s30, v0;
	v2 =	vld.idx.msk [tilespmem:v2+s5+$0x0], $0xffff  }
0x17: {  	vm10 =	vlt.s32 v3, $0x3E7;
	vm11 =	vlt.s32 v3, $0x3E6;
	v1 =	vld.idx.msk [tilespmem:v1+s5+$0x0], $0xffff  }
0x18: {  	v4 =	vnsel vm10, $0x3E7, v3;
	v3 =	vnsel vm11, $0x3E6, v3  }
0x19: {  	v3 =	vadd.s32 $0x1, v3  }
0x1a: {  	s31 =	simm.s32 $0x20  }
0x1b: {  	v5 =	vor.u32 s31, v0  }
0x1c: {  	vm12 =	vlt.s32 v5, $0x3E7;
	vm13 =	vlt.s32 v5, $0x3E6;
	v6 =	vsub.f32 v1, v2  }
0x1d: {  	v7 =	vnsel vm12, $0x3E7, v5;
	v1 =	vld.idx.msk [tilespmem:v4+s5+$0x0], $0xffff;
	v4 =	vnsel vm13, $0x3E6, v5  }
0x1e: {  	v5 =	vld.idx.msk [tilespmem:v3+s5+$0x0], $0xffff;
	v4 =	vadd.s32 $0x1, v4;
	v3 =	vadd.s32 $0x8000, v6  }
0x1f: {  	s2 =	simm.s32 $0x30;
	v6 =	vshrl.u32 v3, $0x10  }
0x20: {  	v8 =	vor.u32 s2, v0;
	v2 =	vsub.s32 v2, v6  }
0x21: {  	vm14 =	vlt.s32 v8, $0x3E7;
	vm15 =	vlt.s32 v8, $0x3E6;
	v9 =	vadd.s32 $0x8000, v2  }
0x22: {  	v3 =	vnsel vm14, $0x3E7, v8;
	v8 =	vnsel vm15, $0x3E6, v8;
	v2 =	vld.idx.msk [tilespmem:v7+s5+$0x0], $0xffff;
	v9 =	vand.u32 $0xFFFF0000, v9  }
0x23: {  	s0 =	simm.s32 $0x400;
	v7 =	vsub.f32 v5, v1;
	v5 =	vadd.s32 $0x1, v8;
	v4 =	vld.idx.msk [tilespmem:v4+s5+$0x0], $0xffff;
	v6 =	vor.u32 v6, v9  }
.LBB2_2:
0x24: {  	s2 =	sadd.s32 $0x10, s2  }
0x25: {  	v7 =	vadd.s32 $0x8000, v7;
	[tilespmem:s0+$0x0] =	vst v6;
	p0 =	slt.u32 s2, $0x3E0  }
.Ltmp0:
0x26: {  	v6 =	vor.u32 s2, v0;
	v8 =	vshrl.u32 v7, $0x10;
	(pc) =	sbr.rel @p0 .LBB2_2-.Ltmp0, $4  }
0x27: {  	vm0 =	vlt.s32 v6, $0x3E7;
	v7 =	vsub.s32 v1, v8  }
0x28: {  	vm1 =	vlt.s32 v6, $0x3E6;
	v1 =	vmovc v2;
	v9 =	vadd.s32 $0x8000, v7;
	v2 =	vld.idx.msk [tilespmem:v3+s5+$0x0], $0xffff;
	v3 =	vnsel vm0, $0x3E7, v6  }
0x29: {  	v6 =	vnsel vm1, $0x3E6, v6;
	v7 =	vsub.f32 v4, v1;
	v4 =	vld.idx.msk [tilespmem:v5+s5+$0x0], $0xffff;
	v9 =	vand.u32 $0xFFFF0000, v9  }
0x2a: {  	s0 =	sadd.s32 $0x10, s0;
	v5 =	vadd.s32 $0x1, v6;
	v6 =	vor.u32 v8, v9  }
0x2b: {  	_ =	sdelay $0x3  }
0x2c: {  	v3 =	vld.idx.msk [tilespmem:v3+s5+$0x0], $0xffff  }
0x2d: {  	v5 =	vld.idx.msk [tilespmem:v5+s5+$0x0], $0xffff;
	_ =	sdelay $0x3  }
0x2e: {  	v4 =	vsub.f32 v4, v2  }
0x2f: {  	v7 =	vadd.s32 $0x8000, v7;
	v5 =	vsub.f32 v5, v3  }
0x30: {  	v7 =	vshrl.u32 v7, $0x10;
	v4 =	vadd.s32 $0x8000, v4  }
0x31: {  	v1 =	vsub.s32 v1, v7;
	v4 =	vshrl.u32 v4, $0x10;
	v5 =	vadd.s32 $0x8000, v5  }
0x32: {  	v1 =	vadd.s32 $0x8000, v1;
	v2 =	vsub.s32 v2, v4;
	v5 =	vshrl.u32 v5, $0x10  }
0x33: {  	v1 =	vand.u32 $0xFFFF0000, v1;
	v2 =	vadd.s32 $0x8000, v2;
	v3 =	vsub.s32 v3, v5  }
0x34: {  	[tilespmem:s0+$0x0] =	vst v6;
	s30 =	sadd.s32 $0x10, s0;
	v1 =	vor.u32 v7, v1;
	v2 =	vand.u32 $0xFFFF0000, v2;
	v3 =	vadd.s32 $0x8000, v3  }
0x35: {  	s0 =	sadd.s32 $0x10, s30;
	[tilespmem:s30+$0x0] =	vst v1;
	v1 =	vor.u32 v4, v2;
	v2 =	vand.u32 $0xFFFF0000, v3  }
0x36: {  	[tilespmem:s0+$0x0] =	vst v1;
	s0 =	sadd.s32 $0x10, s0;
	v1 =	vor.u32 v5, v2  }
0x37: {  	[tilespmem:s0+$0x0] =	vst v1  }
0x38: {  	[tilespmem:s17], [sflag:$0x1] =	stream.linear.gather [hbm4b:s7+s5], $0x4000, $0x38;
	[tilespmem:$0x10800] =	vst v63  }
0x39: {  	_ = 	snop  }
0x3a: {  	[tilespmem:s18], [sflag:$0x2] =	stream.linear.gather [hbm4b:s8+s5], $0x4000, $0x38;
	[tilespmem:$0x10800] =	vst v63  }
0x3b: {  	_ =	swait.ge [sflag:s19], $0x4000  }
0x3c: {  	[sflag:s19] =	ssyncset.done $0x0  }
0x3d: {  	s31 =	simm.s32 $0x880;
	[sflag:s19] =	ssyncadd.s32 $0xFFFFC000  }
0x3e: {  	v1 =	vld [tilespmem:s31+$0xFFFFFF90]  }
0x3f: {  	v2 =	vld [tilespmem:s31+$0x70]  }
0x40: {  	v3 =	vld [tilespmem:s31+$0x50]  }
0x41: {  	v4 =	vld [tilespmem:s31+$0x30]  }
0x42: {  	v5 =	vld [tilespmem:s31+$0x20]  }
0x43: {  	v7 =	vld [tilespmem:s31+$0x10]  }
0x44: {  	v10 =	vld [tilespmem:s31+$0xFFFFFFE0]  }
0x45: {  	v14 =	vld [tilespmem:s31+$0x40]  }
0x46: {  	v18 =	vld [tilespmem:s31+$0x0]  }
0x47: {  	v1 =	vmul.f32 $3.996000060e+02, v1;
	v6 =	vmul.f32 $3.996000060e+02, v2  }
0x48: {  	v11 =	vmul.f32 $3.996000060e+02, v4;
	v12 =	vmul.f32 $3.996000060e+02, v3  }
0x49: {  	v2 =	vld [tilespmem:s31+$0xFFFFFFA0];
	v13 =	vmul.f32 $3.996000060e+02, v5;
	v29 =	vmul.f32 $3.996000060e+02, v7  }
0x4a: {  	v3 =	vmul.f32 $3.996000060e+02, v10;
	v22 =	vmul.f32 $3.996000060e+02, v14  }
0x4b: {  	v18 =	vmul.f32 $3.996000060e+02, v18;
	v9 =	vtrunc.f32 v6  }
0x4c: {  	v4 =	vld [tilespmem:s31+$0xFFFFFFC0];
	v8 =	vtrunc.f32 v1;
	v9 =	vcvt.f32.s32 v9  }
0x4d: {  	v19 =	vtrunc.f32 v29;
	v8 =	vcvt.f32.s32 v8  }
0x4e: {  	v16 =	vld [tilespmem:s31+$0x60];
	v15 =	vmul.f32 $3.996000060e+02, v2;
	v2 =	vtrunc.f32 v11  }
0x4f: {  	v27 =	vtrunc.f32 v13;
	v17 =	vcvt.f32.s32 v2  }
0x50: {  	v33 =	vcvt.f32.s32 v27;
	v5 =	vcvt.s32.f32 v8  }
0x51: {  	v10 =	vcvt.s32.f32 v9;
	v7 =	vmul.f32 $3.996000060e+02, v4  }
0x52: {  	v27 =	vcvt.s32.f32 v33;
	v2 =	vtrunc.f32 v12;
	v20 =	vld.idx.msk [tilespmem:v9+s20+$0x0], $0xffff  }
0x53: {  	v23 =	vld [tilespmem:s31+$0xFFFFFFF0];
	v21 =	vcvt.f32.s32 v2;
	v2 =	vmul.f32 $3.996000060e+02, v16  }
0x54: {  	v14 =	vld [tilespmem:s31+$0xFFFFFF80];
	v24 =	vtrunc.f32 v7;
	v25 =	vtrunc.f32 v15  }
0x55: {  	v6 =	vsub.f32 v6, v10;
	v9 =	vcvt.s32.f32 v17;
	v10 =	vld.idx.msk [tilespmem:v17+s20+$0x0], $0xffff;
	v17 =	vtrunc.f32 v22  }
0x56: {  	v32 =	vcvt.f32.s32 v25;
	v17 =	vcvt.f32.s32 v17  }
0x57: {  	v16 =	vcvt.s32.f32 v21;
	v4 =	vld.idx.msk [tilespmem:v8+s20+$0x0], $0xffff;
	v11 =	vsub.f32 v11, v9;
	v8 =	vshll.u32 v20, $0x10  }
0x58: {  	v26 =	vmul.f32 v8, v6;
	v8 =	vsub.f32 v1, v5;
	v5 =	vtrunc.f32 v18  }
0x59: {  	v12 =	vsub.f32 v12, v16;
	v1 =	vmul.f32 $3.996000060e+02, v14;
	v6 =	vld.idx.msk [tilespmem:v21+s20+$0x0], $0xffff;
	v14 =	vmul.f32 $3.996000060e+02, v23  }
0x5a: {  	v16 =	vld [tilespmem:s31+$0xFFFFFFB0];
	v28 =	vcvt.s32.f32 v17;
	v5 =	vcvt.f32.s32 v5;
	v21 =	vshll.u32 v10, $0x10  }
0x5b: {  	v11 =	vmul.f32 v21, v11;
	v21 =	vtrunc.f32 v14  }
0x5c: {  	v24 =	vcvt.f32.s32 v24;
	v26 =	vadd.f32 v20, v26;
	v30 =	vcvt.f32.s32 v21;
	v21 =	vld.idx.msk [tilespmem:v17+s20+$0x0], $0xffff  }
0x5d: {  	s29 =	simm.s32 $0x8880;
	v23 =	vcvt.f32.s32 v19;
	v19 =	vsub.f32 v22, v28;
	v22 =	vcvt.s32.f32 v32  }
0x5e: {  	v31 =	vcvt.s32.f32 v5;
	[tilespmem:s29+$0x70] =	vst v26;
	v26 =	vcvt.s32.f32 v24;
	v17 =	vshll.u32 v6, $0x10  }
0x5f: {  	v25 =	vld [tilespmem:s31+$0xFFFFFFD0];
	v11 =	vadd.f32 v10, v11;
	v10 =	vmul.f32 $3.996000060e+02, v16;
	v16 =	vsub.f32 v15, v22  }
0x60: {  	v15 =	vtrunc.f32 v3;
	v12 =	vmul.f32 v17, v12;
	v17 =	vsub.f32 v18, v31;
	v5 =	vld.idx.msk [tilespmem:v5+s20+$0x0], $0xffff  }
0x61: {  	v31 =	vcvt.s32.f32 v23;
	v18 =	vsub.f32 v13, v27;
	v13 =	vld.idx.msk [tilespmem:v33+s20+$0x0], $0xffff;
	v28 =	vshll.u32 v21, $0x10  }
0x62: {  	v9 =	vshll.u32 v4, $0x10;
	v20 =	vcvt.s32.f32 v30;
	v22 =	vld.idx.msk [tilespmem:v30+s20+$0x0], $0xffff;
	v28 =	vmul.f32 v28, v19  }
0x63: {  	s2 =	simm.s32 $0x0;
	s28 =	simm.s32 $0x8880;
	s0 =	simm.s32 $0x980;
	v27 =	vtrunc.f32 v10;
	[tilespmem:s29+$0x30] =	vst v11;
	v11 =	vld.idx.msk [tilespmem:v32+s20+$0x0], $0xffff;
	v19 =	vcvt.f32.s32 v15;
	v15 =	vsub.f32 v29, v31  }
.LBB2_4:
0x64: {  	s2 =	sadd.s32 $0x100, s2;
	v27 =	vcvt.f32.s32 v27;
	v25 =	vmul.f32 $3.996000060e+02, v25;
	v23 =	vld.idx.msk [tilespmem:v23+s20+$0x0], $0xffff;
	v21 =	vadd.f32 v21, v28;
	s29 =	sadd.s32 $0x100, s29  }
0x65: {  	v29 =	vshll.u32 v5, $0x10;
	v30 =	vtrunc.f32 v2;
	p0 =	slt.u32 s2, $0x3F00;
	v24 =	vld.idx.msk [tilespmem:v24+s20+$0x0], $0xffff;
	v28 =	vcvt.s32.f32 v19  }
0x66: {  	v8 =	vmul.f32 v9, v8;
	v14 =	vsub.f32 v14, v20;
	v31 =	vld [tilespmem:s0+$0xFFFFFF90];
	v9 =	vtrunc.f32 v25  }
0x67: {  	v7 =	vsub.f32 v7, v26;
	v26 =	vshll.u32 v22, $0x10;
	v20 =	vld [tilespmem:s0+$0x70];
	[tilespmem:s28+$0x40] =	vst v21;
	v21 =	vcvt.f32.s32 v30  }
0x68: {  	v9 =	vcvt.f32.s32 v9;
	v28 =	vsub.f32 v3, v28;
	v3 =	vmul.f32 v26, v14;
	v30 =	vld [tilespmem:s0+$0x10]  }
0x69: {  	v4 =	vadd.f32 v4, v8;
	v8 =	vcvt.s32.f32 v27;
	v26 =	vshll.u32 v13, $0x10;
	v14 =	vld [tilespmem:s0+$0x50]  }
0x6a: {  	v17 =	vmul.f32 v29, v17;
	v33 =	vcvt.s32.f32 v9;
	v3 =	vadd.f32 v22, v3;
	v32 =	vld [tilespmem:s0+$0x30]  }
0x6b: {  	v29 =	vcvt.s32.f32 v21;
	v22 =	vmul.f32 $3.996000060e+02, v31;
	[tilespmem:s28+$0xFFFFFF90] =	vst v4;
	v4 =	vshll.u32 v24, $0x10;
	v19 =	vld.idx.msk [tilespmem:v19+s20+$0x0], $0xffff  }
0x6c: {  	v34 =	vtrunc.f32 v1;
	v18 =	vmul.f32 v26, v18;
	v35 =	vshll.u32 v23, $0x10;
	v31 =	vld [tilespmem:s0+$0x20]  }
0x6d: {  	v36 =	vshll.u32 v11, $0x10;
	v7 =	vmul.f32 v4, v7;
	v26 =	vtrunc.f32 v22;
	v21 =	vld.idx.msk [tilespmem:v21+s20+$0x0], $0xffff  }
0x6e: {  	v6 =	vadd.f32 v6, v12;
	v16 =	vmul.f32 v36, v16;
	v4 =	vcvt.f32.s32 v26;
	v26 =	vld.idx.msk [tilespmem:v27+s20+$0x0], $0xffff  }
0x6f: {  	v12 =	vld [tilespmem:s0+$0xFFFFFFA0];
	v27 =	vmul.f32 $3.996000060e+02, v32;
	[tilespmem:s28+$0xFFFFFFF0] =	vst v3;
	v3 =	vadd.f32 v13, v18;
	v18 =	vsub.f32 v2, v29  }
0x70: {  	v10 =	vsub.f32 v10, v8;
	v14 =	vmul.f32 $3.996000060e+02, v14;
	v2 =	vmul.f32 v35, v15;
	v29 =	vld.idx.msk [tilespmem:v9+s20+$0x0], $0xffff;
	[tilespmem:s28+$0x50] =	vst v6  }
0x71: {  	v8 =	vmul.f32 $3.996000060e+02, v20;
	v9 =	vcvt.f32.s32 v34;
	v20 =	vshll.u32 v19, $0x10;
	v6 =	vld [tilespmem:s0+$0xFFFFFFE0];
	[tilespmem:s28+$0x20] =	vst v3  }
0x72: {  	v25 =	vsub.f32 v25, v33;
	v13 =	vmul.f32 $3.996000060e+02, v31;
	v2 =	vadd.f32 v23, v2  }
0x73: {  	v11 =	vadd.f32 v11, v16;
	v23 =	vcvt.s32.f32 v4;
	v3 =	vtrunc.f32 v8;
	v31 =	vld [tilespmem:s0+$0x60]  }
0x74: {  	v32 =	vshll.u32 v21, $0x10;
	v4 =	vld.idx.msk [tilespmem:v4+s20+$0x0], $0xffff;
	v16 =	vmul.f32 $3.996000060e+02, v12;
	v12 =	vcvt.f32.s32 v3;
	[tilespmem:s28+$0x10] =	vst v2  }
0x75: {  	v15 =	vmul.f32 $3.996000060e+02, v30;
	v30 =	vshll.u32 v26, $0x10;
	v2 =	vtrunc.f32 v27  }
0x76: {  	v34 =	vshll.u32 v29, $0x10;
	v33 =	vld [tilespmem:s0+$0xFFFFFFC0];
	v3 =	vmul.f32 $3.996000060e+02, v6;
	v6 =	vcvt.s32.f32 v12  }
0x77: {  	v7 =	vadd.f32 v24, v7;
	v35 =	vtrunc.f32 v15;
	v36 =	vcvt.f32.s32 v2;
	v37 =	vld [tilespmem:s0+$0x40]  }
0x78: {  	v24 =	vtrunc.f32 v14;
	v38 =	vcvt.s32.f32 v9;
	v6 =	vsub.f32 v8, v6;
	v39 =	vld.idx.msk [tilespmem:v9+s20+$0x0], $0xffff  }
0x79: {  	v8 =	vsub.f32 v22, v23;
	v23 =	vcvt.s32.f32 v36;
	v2 =	vmul.f32 $3.996000060e+02, v31;
	v22 =	vld [tilespmem:s0+$0x0];
	[tilespmem:s28+$0xFFFFFFC0] =	vst v7  }
0x7a: {  	v24 =	vcvt.f32.s32 v24;
	v31 =	vsub.f32 v1, v38;
	v9 =	vshll.u32 v4, $0x10;
	v12 =	vld.idx.msk [tilespmem:v12+s20+$0x0], $0xffff;
	[tilespmem:s28+$0xFFFFFFA0] =	vst v11  }
0x7b: {  	v1 =	vmul.f32 v30, v10;
	v11 =	vsub.f32 v27, v23;
	v7 =	vmul.f32 $3.996000060e+02, v33  }
0x7c: {  	v5 =	vadd.f32 v5, v17;
	v17 =	vmul.f32 v32, v18;
	v10 =	vmul.f32 $3.996000060e+02, v37  }
0x7d: {  	v25 =	vmul.f32 v34, v25;
	v23 =	vcvt.s32.f32 v24;
	v1 =	vadd.f32 v26, v1;
	v18 =	vld [tilespmem:s0+$0xFFFFFF80]  }
0x7e: {  	v20 =	vmul.f32 v20, v28;
	v30 =	vshll.u32 v39, $0x10;
	v26 =	vld.idx.msk [tilespmem:v36+s20+$0x0], $0xffff;
	v27 =	vtrunc.f32 v10;
	[tilespmem:s28+$0x0] =	vst v5  }
0x7f: {  	v32 =	vsub.f32 v14, v23;
	v5 =	vtrunc.f32 v7;
	v22 =	vmul.f32 $3.996000060e+02, v22;
	v28 =	vld [tilespmem:s0+$0xFFFFFFF0];
	[tilespmem:s28+$0xFFFFFFB0] =	vst v1  }
0x80: {  	v23 =	vtrunc.f32 v16;
	v27 =	vcvt.f32.s32 v27;
	v1 =	vshll.u32 v12, $0x10  }
0x81: {  	v19 =	vadd.f32 v19, v20;
	v17 =	vadd.f32 v21, v17;
	v14 =	vmul.f32 v1, v6  }
0x82: {  	v21 =	vadd.f32 v29, v25;
	v33 =	vtrunc.f32 v13;
	v20 =	vtrunc.f32 v22  }
0x83: {  	v1 =	vmul.f32 $3.996000060e+02, v18;
	v18 =	vcvt.s32.f32 v27;
	v12 =	vadd.f32 v12, v14;
	v6 =	vld.idx.msk [tilespmem:v24+s20+$0x0], $0xffff  }
0x84: {  	v25 =	vmul.f32 v30, v31;
	v24 =	vshll.u32 v26, $0x10;
	v14 =	vmul.f32 $3.996000060e+02, v28;
	[tilespmem:s28+$0xFFFFFFD0] =	vst v21  }
0x85: {  	v28 =	vcvt.f32.s32 v20;
	v11 =	vmul.f32 v24, v11;
	v29 =	vsub.f32 v10, v18;
	[tilespmem:s28+$0x60] =	vst v17  }
0x86: {  	v10 =	vtrunc.f32 v14;
	v21 =	vld.idx.msk [tilespmem:v27+s20+$0x0], $0xffff;
	[tilespmem:s29+$0x70] =	vst v12;
	v12 =	vadd.f32 v39, v25  }
0x87: {  	v11 =	vadd.f32 v26, v11;
	v18 =	vld [tilespmem:s0+$0xFFFFFFB0];
	v27 =	vcvt.f32.s32 v10;
	v10 =	vcvt.s32.f32 v28  }
0x88: {  	v30 =	vcvt.f32.s32 v33;
	v26 =	vcvt.f32.s32 v23;
	[tilespmem:s28+$0xFFFFFF80] =	vst v12  }
0x89: {  	v23 =	vcvt.f32.s32 v35;
	v12 =	vshll.u32 v6, $0x10;
	v20 =	vcvt.s32.f32 v27;
	[tilespmem:s28+$0xFFFFFFE0] =	vst v19;
	s28 =	smov.u32 s29  }
0x8a: {  	v24 =	vcvt.f32.s32 v5;
	v17 =	vsub.f32 v22, v10;
	v12 =	vmul.f32 v12, v32;
	v25 =	vld [tilespmem:s0+$0xFFFFFFD0];
	[tilespmem:s29+$0x30] =	vst v11  }
.Ltmp1:
0x8b: {  	v19 =	vcvt.s32.f32 v30;
	v11 =	vcvt.s32.f32 v26;
	v5 =	vld.idx.msk [tilespmem:v28+s20+$0x0], $0xffff;
	(pc) =	sbr.rel @p0 .LBB2_4-.Ltmp1, $4  }
0x8c: {  	v31 =	vcvt.s32.f32 v23;
	v10 =	vmul.f32 $3.996000060e+02, v18  }
0x8d: {  	v32 =	vtrunc.f32 v3;
	v16 =	vsub.f32 v16, v11;
	v11 =	vshll.u32 v21, $0x10;
	v22 =	vld.idx.msk [tilespmem:v27+s20+$0x0], $0xffff  }
0x8e: {  	v18 =	vsub.f32 v13, v19;
	v28 =	vmul.f32 v11, v29;
	v27 =	vtrunc.f32 v10;
	v13 =	vld.idx.msk [tilespmem:v30+s20+$0x0], $0xffff  }
0x8f: {  	v15 =	vsub.f32 v15, v31;
	s0 =	sadd.s32 $0x100, s0;
	v19 =	vcvt.f32.s32 v32;
	v11 =	vld.idx.msk [tilespmem:v26+s20+$0x0], $0xffff;
	v26 =	vcvt.s32.f32 v24  }
0x90: {  	v27 =	vcvt.f32.s32 v27;
	v25 =	vmul.f32 $3.996000060e+02, v25  }
0x91: {  	v21 =	vadd.f32 v21, v28;
	v28 =	vtrunc.f32 v2;
	v30 =	vshll.u32 v5, $0x10  }
0x92: {  	v8 =	vmul.f32 v9, v8;
	v14 =	vsub.f32 v14, v20;
	v29 =	vcvt.s32.f32 v19  }
0x93: {  	v6 =	vadd.f32 v6, v12;
	v28 =	vcvt.f32.s32 v28;
	v9 =	vtrunc.f32 v25  }
0x94: {  	v20 =	vld.idx.msk [tilespmem:v23+s20+$0x0], $0xffff;
	v17 =	vmul.f32 v30, v17;
	v23 =	vshll.u32 v22, $0x10;
	v9 =	vcvt.f32.s32 v9  }
0x95: {  	v24 =	vld.idx.msk [tilespmem:v24+s20+$0x0], $0xffff;
	v7 =	vsub.f32 v7, v26;
	v14 =	vmul.f32 v23, v14;
	v23 =	vtrunc.f32 v1  }
0x96: {  	v4 =	vadd.f32 v4, v8;
	v8 =	vcvt.s32.f32 v27;
	[tilespmem:s28+$0x40] =	vst v21;
	v23 =	vcvt.f32.s32 v23  }
0x97: {  	[tilespmem:s28+$0x50] =	vst v6;
	v3 =	vsub.f32 v3, v29;
	v26 =	vshll.u32 v13, $0x10;
	v30 =	vcvt.s32.f32 v28  }
0x98: {  	v5 =	vadd.f32 v5, v17;
	v18 =	vmul.f32 v26, v18;
	v14 =	vadd.f32 v22, v14;
	v27 =	vld.idx.msk [tilespmem:v27+s20+$0x0], $0xffff  }
0x99: {  	v26 =	vshll.u32 v11, $0x10;
	[tilespmem:s28+$0xFFFFFF90] =	vst v4;
	v8 =	vsub.f32 v10, v8;
	v21 =	vshll.u32 v20, $0x10;
	v28 =	vld.idx.msk [tilespmem:v28+s20+$0x0], $0xffff  }
0x9a: {  	v29 =	vcvt.s32.f32 v9;
	v22 =	vshll.u32 v24, $0x10;
	v12 =	vmul.f32 v21, v15;
	[tilespmem:s28+$0xFFFFFFF0] =	vst v14;
	v14 =	vld.idx.msk [tilespmem:v19+s20+$0x0], $0xffff  }
0x9b: {  	v16 =	vmul.f32 v26, v16;
	v2 =	vsub.f32 v2, v30;
	v4 =	vadd.f32 v13, v18;
	v9 =	vld.idx.msk [tilespmem:v9+s20+$0x0], $0xffff  }
0x9c: {  	v7 =	vmul.f32 v22, v7;
	v10 =	vsub.f32 v25, v29;
	v6 =	vadd.f32 v20, v12;
	v13 =	vld.idx.msk [tilespmem:v23+s20+$0x0], $0xffff  }
0x9d: {  	v11 =	vadd.f32 v11, v16;
	[tilespmem:s28+$0x20] =	vst v4;
	v12 =	vcvt.s32.f32 v23;
	v4 =	vshll.u32 v27, $0x10  }
0x9e: {  	v7 =	vadd.f32 v24, v7;
	[tilespmem:s28+$0x10] =	vst v6;
	v6 =	vshll.u32 v28, $0x10;
	v4 =	vmul.f32 v4, v8  }
0x9f: {  	[tilespmem:s28+$0x0] =	vst v5;
	v1 =	vsub.f32 v1, v12;
	v8 =	vshll.u32 v14, $0x10;
	v2 =	vmul.f32 v6, v2  }
0xa0: {  	[tilespmem:s28+$0xFFFFFFA0] =	vst v11;
	v3 =	vmul.f32 v8, v3;
	v15 =	vshll.u32 v9, $0x10;
	v4 =	vadd.f32 v27, v4  }
0xa1: {  	[tilespmem:s28+$0xFFFFFFC0] =	vst v7;
	v7 =	vmul.f32 v15, v10;
	v6 =	vshll.u32 v13, $0x10;
	v2 =	vadd.f32 v28, v2  }
0xa2: {  	v3 =	vadd.f32 v14, v3;
	v1 =	vmul.f32 v6, v1;
	[tilespmem:s28+$0xFFFFFFB0] =	vst v4  }
0xa3: {  	v5 =	vadd.f32 v9, v7;
	[tilespmem:s28+$0x60] =	vst v2  }
0xa4: {  	[tilespmem:s28+$0xFFFFFFE0] =	vst v3;
	v1 =	vadd.f32 v13, v1  }
0xa5: {  	[tilespmem:s28+$0xFFFFFFD0] =	vst v5  }
0xa6: {  	[tilespmem:s28+$0xFFFFFF80] =	vst v1  }
0xa7: {  	[hbm4b:s9+s5] =	stream.linear.scatter [tilespmem:s21], [sflag:$0x3], $0x4000, $0x38;
	[tilespmem:$0x10800] =	vst v63  }
0xa8: {  	_ = 	snop  }
0xa9: {  	[tilespmem:s17], [sflag:$0x1] =	stream.linear.gather [hbm4b:s10+s5], $0x4000, $0x38;
	[tilespmem:$0x10800] =	vst v63  }
0xaa: {  	_ =	swait.ge [sflag:s22], $0x4000  }
0xab: {  	[sflag:s22] =	ssyncset.done $0x0  }
0xac: {  	s0 =	simm.s32 $0x4880;
	[sflag:s22] =	ssyncadd.s32 $0xFFFFC000  }
0xad: {  	v1 =	vld [tilespmem:s0+$0xFFFFFF90]  }
0xae: {  	v2 =	vld [tilespmem:s0+$0x70]  }
0xaf: {  	v3 =	vld [tilespmem:s0+$0x50]  }
0xb0: {  	v4 =	vld [tilespmem:s0+$0x30]  }
0xb1: {  	v5 =	vld [tilespmem:s0+$0x20]  }
0xb2: {  	v7 =	vld [tilespmem:s0+$0x10]  }
0xb3: {  	v10 =	vld [tilespmem:s0+$0xFFFFFFE0]  }
0xb4: {  	v14 =	vld [tilespmem:s0+$0x40]  }
0xb5: {  	v18 =	vld [tilespmem:s0+$0x0]  }
0xb6: {  	v1 =	vmul.f32 $3.996000060e+02, v1;
	v6 =	vmul.f32 $3.996000060e+02, v2  }
0xb7: {  	v11 =	vmul.f32 $3.996000060e+02, v4;
	v12 =	vmul.f32 $3.996000060e+02, v3  }
0xb8: {  	v2 =	vld [tilespmem:s0+$0xFFFFFFA0];
	v13 =	vmul.f32 $3.996000060e+02, v5;
	v29 =	vmul.f32 $3.996000060e+02, v7  }
0xb9: {  	v3 =	vmul.f32 $3.996000060e+02, v10;
	v22 =	vmul.f32 $3.996000060e+02, v14  }
0xba: {  	v18 =	vmul.f32 $3.996000060e+02, v18;
	v9 =	vtrunc.f32 v6  }
0xbb: {  	v4 =	vld [tilespmem:s0+$0xFFFFFFC0];
	v8 =	vtrunc.f32 v1;
	v9 =	vcvt.f32.s32 v9  }
0xbc: {  	v19 =	vtrunc.f32 v29;
	v8 =	vcvt.f32.s32 v8  }
0xbd: {  	v16 =	vld [tilespmem:s0+$0x60];
	v15 =	vmul.f32 $3.996000060e+02, v2;
	v2 =	vtrunc.f32 v11  }
0xbe: {  	v27 =	vtrunc.f32 v13;
	v17 =	vcvt.f32.s32 v2  }
0xbf: {  	v33 =	vcvt.f32.s32 v27;
	v5 =	vcvt.s32.f32 v8  }
0xc0: {  	v10 =	vcvt.s32.f32 v9;
	v7 =	vmul.f32 $3.996000060e+02, v4  }
0xc1: {  	v27 =	vcvt.s32.f32 v33;
	v2 =	vtrunc.f32 v12;
	v20 =	vld.idx.msk [tilespmem:v9+s20+$0x0], $0xffff  }
0xc2: {  	v23 =	vld [tilespmem:s0+$0xFFFFFFF0];
	v21 =	vcvt.f32.s32 v2;
	v2 =	vmul.f32 $3.996000060e+02, v16  }
0xc3: {  	v14 =	vld [tilespmem:s0+$0xFFFFFF80];
	v24 =	vtrunc.f32 v7;
	v25 =	vtrunc.f32 v15  }
0xc4: {  	v6 =	vsub.f32 v6, v10;
	v9 =	vcvt.s32.f32 v17;
	v10 =	vld.idx.msk [tilespmem:v17+s20+$0x0], $0xffff;
	v17 =	vtrunc.f32 v22  }
0xc5: {  	v32 =	vcvt.f32.s32 v25;
	v17 =	vcvt.f32.s32 v17  }
0xc6: {  	v16 =	vcvt.s32.f32 v21;
	v4 =	vld.idx.msk [tilespmem:v8+s20+$0x0], $0xffff;
	v11 =	vsub.f32 v11, v9;
	v8 =	vshll.u32 v20, $0x10  }
0xc7: {  	v26 =	vmul.f32 v8, v6;
	v8 =	vsub.f32 v1, v5;
	v5 =	vtrunc.f32 v18  }
0xc8: {  	v12 =	vsub.f32 v12, v16;
	v1 =	vmul.f32 $3.996000060e+02, v14;
	v6 =	vld.idx.msk [tilespmem:v21+s20+$0x0], $0xffff;
	v14 =	vmul.f32 $3.996000060e+02, v23  }
0xc9: {  	v16 =	vld [tilespmem:s0+$0xFFFFFFB0];
	v28 =	vcvt.s32.f32 v17;
	v5 =	vcvt.f32.s32 v5;
	v21 =	vshll.u32 v10, $0x10  }
0xca: {  	v11 =	vmul.f32 v21, v11;
	v21 =	vtrunc.f32 v14  }
0xcb: {  	v24 =	vcvt.f32.s32 v24;
	v26 =	vadd.f32 v20, v26;
	v30 =	vcvt.f32.s32 v21;
	v21 =	vld.idx.msk [tilespmem:v17+s20+$0x0], $0xffff  }
0xcc: {  	s29 =	simm.s32 $0xC880;
	v23 =	vcvt.f32.s32 v19;
	v19 =	vsub.f32 v22, v28;
	v22 =	vcvt.s32.f32 v32  }
0xcd: {  	v31 =	vcvt.s32.f32 v5;
	[tilespmem:s29+$0x70] =	vst v26;
	v26 =	vcvt.s32.f32 v24;
	v17 =	vshll.u32 v6, $0x10  }
0xce: {  	v25 =	vld [tilespmem:s0+$0xFFFFFFD0];
	v11 =	vadd.f32 v10, v11;
	v10 =	vmul.f32 $3.996000060e+02, v16;
	v16 =	vsub.f32 v15, v22  }
0xcf: {  	v15 =	vtrunc.f32 v3;
	v12 =	vmul.f32 v17, v12;
	v17 =	vsub.f32 v18, v31;
	v5 =	vld.idx.msk [tilespmem:v5+s20+$0x0], $0xffff  }
0xd0: {  	v31 =	vcvt.s32.f32 v23;
	v18 =	vsub.f32 v13, v27;
	v13 =	vld.idx.msk [tilespmem:v33+s20+$0x0], $0xffff;
	v28 =	vshll.u32 v21, $0x10  }
0xd1: {  	v9 =	vshll.u32 v4, $0x10;
	v20 =	vcvt.s32.f32 v30;
	v22 =	vld.idx.msk [tilespmem:v30+s20+$0x0], $0xffff;
	v28 =	vmul.f32 v28, v19  }
0xd2: {  	s2 =	simm.s32 $0x0;
	s28 =	simm.s32 $0xC880;
	s0 =	simm.s32 $0x4980;
	v27 =	vtrunc.f32 v10;
	[tilespmem:s29+$0x30] =	vst v11;
	v11 =	vld.idx.msk [tilespmem:v32+s20+$0x0], $0xffff;
	v19 =	vcvt.f32.s32 v15;
	v15 =	vsub.f32 v29, v31  }
.LBB2_6:
0xd3: {  	s2 =	sadd.s32 $0x100, s2;
	v27 =	vcvt.f32.s32 v27;
	v25 =	vmul.f32 $3.996000060e+02, v25;
	v23 =	vld.idx.msk [tilespmem:v23+s20+$0x0], $0xffff;
	v21 =	vadd.f32 v21, v28;
	s29 =	sadd.s32 $0x100, s29  }
0xd4: {  	v29 =	vshll.u32 v5, $0x10;
	v30 =	vtrunc.f32 v2;
	p0 =	slt.u32 s2, $0x3F00;
	v24 =	vld.idx.msk [tilespmem:v24+s20+$0x0], $0xffff;
	v28 =	vcvt.s32.f32 v19  }
0xd5: {  	v8 =	vmul.f32 v9, v8;
	v14 =	vsub.f32 v14, v20;
	v31 =	vld [tilespmem:s0+$0xFFFFFF90];
	v9 =	vtrunc.f32 v25  }
0xd6: {  	v7 =	vsub.f32 v7, v26;
	v26 =	vshll.u32 v22, $0x10;
	v20 =	vld [tilespmem:s0+$0x70];
	[tilespmem:s28+$0x40] =	vst v21;
	v21 =	vcvt.f32.s32 v30  }
0xd7: {  	v9 =	vcvt.f32.s32 v9;
	v28 =	vsub.f32 v3, v28;
	v3 =	vmul.f32 v26, v14;
	v30 =	vld [tilespmem:s0+$0x10]  }
0xd8: {  	v4 =	vadd.f32 v4, v8;
	v8 =	vcvt.s32.f32 v27;
	v26 =	vshll.u32 v13, $0x10;
	v14 =	vld [tilespmem:s0+$0x50]  }
0xd9: {  	v17 =	vmul.f32 v29, v17;
	v33 =	vcvt.s32.f32 v9;
	v3 =	vadd.f32 v22, v3;
	v32 =	vld [tilespmem:s0+$0x30]  }
0xda: {  	v29 =	vcvt.s32.f32 v21;
	v22 =	vmul.f32 $3.996000060e+02, v31;
	[tilespmem:s28+$0xFFFFFF90] =	vst v4;
	v4 =	vshll.u32 v24, $0x10;
	v19 =	vld.idx.msk [tilespmem:v19+s20+$0x0], $0xffff  }
0xdb: {  	v34 =	vtrunc.f32 v1;
	v18 =	vmul.f32 v26, v18;
	v35 =	vshll.u32 v23, $0x10;
	v31 =	vld [tilespmem:s0+$0x20]  }
0xdc: {  	v36 =	vshll.u32 v11, $0x10;
	v7 =	vmul.f32 v4, v7;
	v26 =	vtrunc.f32 v22;
	v21 =	vld.idx.msk [tilespmem:v21+s20+$0x0], $0xffff  }
0xdd: {  	v6 =	vadd.f32 v6, v12;
	v16 =	vmul.f32 v36, v16;
	v4 =	vcvt.f32.s32 v26;
	v26 =	vld.idx.msk [tilespmem:v27+s20+$0x0], $0xffff  }
0xde: {  	v12 =	vld [tilespmem:s0+$0xFFFFFFA0];
	v27 =	vmul.f32 $3.996000060e+02, v32;
	[tilespmem:s28+$0xFFFFFFF0] =	vst v3;
	v3 =	vadd.f32 v13, v18;
	v18 =	vsub.f32 v2, v29  }
0xdf: {  	v10 =	vsub.f32 v10, v8;
	v14 =	vmul.f32 $3.996000060e+02, v14;
	v2 =	vmul.f32 v35, v15;
	v29 =	vld.idx.msk [tilespmem:v9+s20+$0x0], $0xffff;
	[tilespmem:s28+$0x50] =	vst v6  }
0xe0: {  	v8 =	vmul.f32 $3.996000060e+02, v20;
	v9 =	vcvt.f32.s32 v34;
	v20 =	vshll.u32 v19, $0x10;
	v6 =	vld [tilespmem:s0+$0xFFFFFFE0];
	[tilespmem:s28+$0x20] =	vst v3  }
0xe1: {  	v25 =	vsub.f32 v25, v33;
	v13 =	vmul.f32 $3.996000060e+02, v31;
	v2 =	vadd.f32 v23, v2  }
0xe2: {  	v11 =	vadd.f32 v11, v16;
	v23 =	vcvt.s32.f32 v4;
	v3 =	vtrunc.f32 v8;
	v31 =	vld [tilespmem:s0+$0x60]  }
0xe3: {  	v32 =	vshll.u32 v21, $0x10;
	v4 =	vld.idx.msk [tilespmem:v4+s20+$0x0], $0xffff;
	v16 =	vmul.f32 $3.996000060e+02, v12;
	v12 =	vcvt.f32.s32 v3;
	[tilespmem:s28+$0x10] =	vst v2  }
0xe4: {  	v15 =	vmul.f32 $3.996000060e+02, v30;
	v30 =	vshll.u32 v26, $0x10;
	v2 =	vtrunc.f32 v27  }
0xe5: {  	v34 =	vshll.u32 v29, $0x10;
	v33 =	vld [tilespmem:s0+$0xFFFFFFC0];
	v3 =	vmul.f32 $3.996000060e+02, v6;
	v6 =	vcvt.s32.f32 v12  }
0xe6: {  	v7 =	vadd.f32 v24, v7;
	v35 =	vtrunc.f32 v15;
	v36 =	vcvt.f32.s32 v2;
	v37 =	vld [tilespmem:s0+$0x40]  }
0xe7: {  	v24 =	vtrunc.f32 v14;
	v38 =	vcvt.s32.f32 v9;
	v6 =	vsub.f32 v8, v6;
	v39 =	vld.idx.msk [tilespmem:v9+s20+$0x0], $0xffff  }
0xe8: {  	v8 =	vsub.f32 v22, v23;
	v23 =	vcvt.s32.f32 v36;
	v2 =	vmul.f32 $3.996000060e+02, v31;
	v22 =	vld [tilespmem:s0+$0x0];
	[tilespmem:s28+$0xFFFFFFC0] =	vst v7  }
0xe9: {  	v24 =	vcvt.f32.s32 v24;
	v31 =	vsub.f32 v1, v38;
	v9 =	vshll.u32 v4, $0x10;
	v12 =	vld.idx.msk [tilespmem:v12+s20+$0x0], $0xffff;
	[tilespmem:s28+$0xFFFFFFA0] =	vst v11  }
0xea: {  	v1 =	vmul.f32 v30, v10;
	v11 =	vsub.f32 v27, v23;
	v7 =	vmul.f32 $3.996000060e+02, v33  }
0xeb: {  	v5 =	vadd.f32 v5, v17;
	v17 =	vmul.f32 v32, v18;
	v10 =	vmul.f32 $3.996000060e+02, v37  }
0xec: {  	v25 =	vmul.f32 v34, v25;
	v23 =	vcvt.s32.f32 v24;
	v1 =	vadd.f32 v26, v1;
	v18 =	vld [tilespmem:s0+$0xFFFFFF80]  }
0xed: {  	v20 =	vmul.f32 v20, v28;
	v30 =	vshll.u32 v39, $0x10;
	v26 =	vld.idx.msk [tilespmem:v36+s20+$0x0], $0xffff;
	v27 =	vtrunc.f32 v10;
	[tilespmem:s28+$0x0] =	vst v5  }
0xee: {  	v32 =	vsub.f32 v14, v23;
	v5 =	vtrunc.f32 v7;
	v22 =	vmul.f32 $3.996000060e+02, v22;
	v28 =	vld [tilespmem:s0+$0xFFFFFFF0];
	[tilespmem:s28+$0xFFFFFFB0] =	vst v1  }
0xef: {  	v23 =	vtrunc.f32 v16;
	v27 =	vcvt.f32.s32 v27;
	v1 =	vshll.u32 v12, $0x10  }
0xf0: {  	v19 =	vadd.f32 v19, v20;
	v17 =	vadd.f32 v21, v17;
	v14 =	vmul.f32 v1, v6  }
0xf1: {  	v21 =	vadd.f32 v29, v25;
	v33 =	vtrunc.f32 v13;
	v20 =	vtrunc.f32 v22  }
0xf2: {  	v1 =	vmul.f32 $3.996000060e+02, v18;
	v18 =	vcvt.s32.f32 v27;
	v12 =	vadd.f32 v12, v14;
	v6 =	vld.idx.msk [tilespmem:v24+s20+$0x0], $0xffff  }
0xf3: {  	v25 =	vmul.f32 v30, v31;
	v24 =	vshll.u32 v26, $0x10;
	v14 =	vmul.f32 $3.996000060e+02, v28;
	[tilespmem:s28+$0xFFFFFFD0] =	vst v21  }
0xf4: {  	v28 =	vcvt.f32.s32 v20;
	v11 =	vmul.f32 v24, v11;
	v29 =	vsub.f32 v10, v18;
	[tilespmem:s28+$0x60] =	vst v17  }
0xf5: {  	v10 =	vtrunc.f32 v14;
	v21 =	vld.idx.msk [tilespmem:v27+s20+$0x0], $0xffff;
	[tilespmem:s29+$0x70] =	vst v12;
	v12 =	vadd.f32 v39, v25  }
0xf6: {  	v11 =	vadd.f32 v26, v11;
	v18 =	vld [tilespmem:s0+$0xFFFFFFB0];
	v27 =	vcvt.f32.s32 v10;
	v10 =	vcvt.s32.f32 v28  }
0xf7: {  	v30 =	vcvt.f32.s32 v33;
	v26 =	vcvt.f32.s32 v23;
	[tilespmem:s28+$0xFFFFFF80] =	vst v12  }
0xf8: {  	v23 =	vcvt.f32.s32 v35;
	v12 =	vshll.u32 v6, $0x10;
	v20 =	vcvt.s32.f32 v27;
	[tilespmem:s28+$0xFFFFFFE0] =	vst v19;
	s28 =	smov.u32 s29  }
0xf9: {  	v24 =	vcvt.f32.s32 v5;
	v17 =	vsub.f32 v22, v10;
	v12 =	vmul.f32 v12, v32;
	v25 =	vld [tilespmem:s0+$0xFFFFFFD0];
	[tilespmem:s29+$0x30] =	vst v11  }
.Ltmp2:
0xfa: {  	v19 =	vcvt.s32.f32 v30;
	v11 =	vcvt.s32.f32 v26;
	v5 =	vld.idx.msk [tilespmem:v28+s20+$0x0], $0xffff;
	(pc) =	sbr.rel @p0 .LBB2_6-.Ltmp2, $4  }
0xfb: {  	v31 =	vcvt.s32.f32 v23;
	v10 =	vmul.f32 $3.996000060e+02, v18  }
0xfc: {  	v32 =	vtrunc.f32 v3;
	v16 =	vsub.f32 v16, v11;
	v11 =	vshll.u32 v21, $0x10;
	v22 =	vld.idx.msk [tilespmem:v27+s20+$0x0], $0xffff  }
0xfd: {  	v18 =	vsub.f32 v13, v19;
	v28 =	vmul.f32 v11, v29;
	v27 =	vtrunc.f32 v10;
	v13 =	vld.idx.msk [tilespmem:v30+s20+$0x0], $0xffff  }
0xfe: {  	v15 =	vsub.f32 v15, v31;
	s0 =	sadd.s32 $0x100, s0;
	v19 =	vcvt.f32.s32 v32;
	v11 =	vld.idx.msk [tilespmem:v26+s20+$0x0], $0xffff;
	v26 =	vcvt.s32.f32 v24  }
0xff: {  	v27 =	vcvt.f32.s32 v27;
	v25 =	vmul.f32 $3.996000060e+02, v25  }
0x100: {  	v21 =	vadd.f32 v21, v28;
	v36 =	vtrunc.f32 v2;
	v30 =	vshll.u32 v5, $0x10  }
0x101: {  	v8 =	vmul.f32 v9, v8;
	v14 =	vsub.f32 v14, v20;
	v40 =	vtrunc.f32 v1  }
0x102: {  	v6 =	vadd.f32 v6, v12;
	v29 =	vcvt.s32.f32 v19;
	v28 =	vcvt.f32.s32 v36  }
0x103: {  	v38 =	vld.idx.msk [tilespmem:v23+s20+$0x0], $0xffff;
	v7 =	vsub.f32 v7, v26;
	v23 =	vcvt.f32.s32 v40;
	v17 =	vmul.f32 v30, v17  }
0x104: {  	v24 =	vld.idx.msk [tilespmem:v24+s20+$0x0], $0xffff;
	v37 =	vtrunc.f32 v25;
	v39 =	vshll.u32 v22, $0x10;
	v4 =	vadd.f32 v4, v8  }
0x105: {  	v41 =	vcvt.s32.f32 v27;
	v9 =	vcvt.f32.s32 v37;
	v3 =	vsub.f32 v3, v29  }
0x106: {  	v14 =	vmul.f32 v39, v14;
	v42 =	vshll.u32 v13, $0x10;
	v45 =	vcvt.s32.f32 v28  }
0x107: {  	v52 =	vld.idx.msk [tilespmem:v19+s20+$0x0], $0xffff;
	[tilespmem:s28+$0x40] =	vst v21;
	v56 =	vcvt.s32.f32 v23;
	v59 =	vadd.f32 v5, v17;
	v18 =	vmul.f32 v42, v18  }
0x108: {  	[tilespmem:s28+$0x50] =	vst v6;
	v47 =	vshll.u32 v11, $0x10;
	v8 =	vsub.f32 v10, v41;
	v43 =	vcvt.s32.f32 v9;
	v27 =	vld.idx.msk [tilespmem:v27+s20+$0x0], $0xffff  }
0x109: {  	[tilespmem:s28+$0xFFFFFF90] =	vst v4;
	v14 =	vadd.f32 v22, v14;
	v44 =	vshll.u32 v24, $0x10;
	v16 =	vmul.f32 v47, v16;
	v28 =	vld.idx.msk [tilespmem:v28+s20+$0x0], $0xffff  }
0x10a: {  	v46 =	vshll.u32 v38, $0x10;
	v2 =	vsub.f32 v2, v45;
	v1 =	vsub.f32 v1, v56;
	[tilespmem:s28+$0x0] =	vst v59;
	v51 =	vld.idx.msk [tilespmem:v23+s20+$0x0], $0xffff  }
0x10b: {  	v7 =	vmul.f32 v44, v7;
	v48 =	vadd.f32 v13, v18;
	v49 =	vmul.f32 v46, v15;
	v9 =	vld.idx.msk [tilespmem:v9+s20+$0x0], $0xffff  }
0x10c: {  	v62 =	vshll.u32 v52, $0x10;
	[tilespmem:s28+$0xFFFFFFF0] =	vst v14;
	v50 =	vsub.f32 v25, v43;
	v54 =	vadd.f32 v11, v16  }
0x10d: {  	v3 =	vmul.f32 v62, v3;
	v53 =	vadd.f32 v38, v49;
	[tilespmem:s28+$0x20] =	vst v48;
	v55 =	vshll.u32 v27, $0x10  }
0x10e: {  	v7 =	vadd.f32 v24, v7;
	[tilespmem:s28+$0xFFFFFFA0] =	vst v54;
	v57 =	vshll.u32 v28, $0x10;
	v4 =	vmul.f32 v55, v8  }
0x10f: {  	v3 =	vadd.f32 v52, v3;
	[tilespmem:s28+$0x10] =	vst v53;
	v61 =	vshll.u32 v51, $0x10;
	v2 =	vmul.f32 v57, v2  }
0x110: {  	[tilespmem:s28+$0xFFFFFFC0] =	vst v7;
	v1 =	vmul.f32 v61, v1;
	v58 =	vshll.u32 v9, $0x10;
	v4 =	vadd.f32 v27, v4  }
0x111: {  	[tilespmem:s28+$0xFFFFFFE0] =	vst v3;
	v60 =	vmul.f32 v58, v50;
	v2 =	vadd.f32 v28, v2  }
0x112: {  	v1 =	vadd.f32 v51, v1;
	[tilespmem:s28+$0xFFFFFFB0] =	vst v4  }
0x113: {  	v63 =	vadd.f32 v9, v60;
	[tilespmem:s28+$0x60] =	vst v2  }
0x114: {  	[tilespmem:s28+$0xFFFFFF80] =	vst v1  }
0x115: {  	[tilespmem:s28+$0xFFFFFFD0] =	vst v63  }
0x116: {  	[hbm4b:s11+s5] =	stream.linear.scatter [tilespmem:s23], [sflag:$0x4], $0x4000, $0x38;
	[tilespmem:$0x10800] =	vst v63  }
0x117: {  	s28 =	simm.s32 $0x1  }
0x118: {  	[tilespmem:s18], [sflag:$0x2] =	stream.linear.gather [hbm4b:s12+s5], $0x4000, $0x38;
	[tilespmem:$0x10800] =	vst v63  }
.LBB2_8:
0x119: {  	_ =	swait.ge [sflag:s19], $0x4000  }
0x11a: {  	[sflag:s19] =	ssyncset.done $0x0  }
0x11b: {  	[sflag:s19] =	ssyncadd.s32 $0xFFFFC000  }
0x11c: {  	_ =	swait.ge [sflag:s24], $0x4000  }
0x11d: {  	[sflag:s24] =	ssyncset.done $0x0  }
0x11e: {  	s0 =	simm.s32 $0x880;
	[sflag:s24] =	ssyncadd.s32 $0xFFFFC000  }
0x11f: {  	v1 =	vld [tilespmem:s0+$0xFFFFFF90]  }
0x120: {  	v2 =	vld [tilespmem:s0+$0x70]  }
0x121: {  	v3 =	vld [tilespmem:s0+$0x50]  }
0x122: {  	v4 =	vld [tilespmem:s0+$0x30]  }
0x123: {  	v5 =	vld [tilespmem:s0+$0x20]  }
0x124: {  	v7 =	vld [tilespmem:s0+$0x10]  }
0x125: {  	v10 =	vld [tilespmem:s0+$0xFFFFFFE0]  }
0x126: {  	v14 =	vld [tilespmem:s0+$0x40]  }
0x127: {  	v18 =	vld [tilespmem:s0+$0x0]  }
0x128: {  	v1 =	vmul.f32 $3.996000060e+02, v1;
	v6 =	vmul.f32 $3.996000060e+02, v2  }
0x129: {  	v11 =	vmul.f32 $3.996000060e+02, v4;
	v12 =	vmul.f32 $3.996000060e+02, v3  }
0x12a: {  	v2 =	vld [tilespmem:s0+$0xFFFFFFA0];
	v13 =	vmul.f32 $3.996000060e+02, v5;
	v29 =	vmul.f32 $3.996000060e+02, v7  }
0x12b: {  	v3 =	vmul.f32 $3.996000060e+02, v10;
	v22 =	vmul.f32 $3.996000060e+02, v14  }
0x12c: {  	v18 =	vmul.f32 $3.996000060e+02, v18;
	v9 =	vtrunc.f32 v6  }
0x12d: {  	v4 =	vld [tilespmem:s0+$0xFFFFFFC0];
	v8 =	vtrunc.f32 v1;
	v9 =	vcvt.f32.s32 v9  }
0x12e: {  	v19 =	vtrunc.f32 v29;
	v8 =	vcvt.f32.s32 v8  }
0x12f: {  	v16 =	vld [tilespmem:s0+$0x60];
	v15 =	vmul.f32 $3.996000060e+02, v2;
	v2 =	vtrunc.f32 v11  }
0x130: {  	v27 =	vtrunc.f32 v13;
	v17 =	vcvt.f32.s32 v2  }
0x131: {  	v33 =	vcvt.f32.s32 v27;
	v5 =	vcvt.s32.f32 v8  }
0x132: {  	v10 =	vcvt.s32.f32 v9;
	v7 =	vmul.f32 $3.996000060e+02, v4  }
0x133: {  	v27 =	vcvt.s32.f32 v33;
	v2 =	vtrunc.f32 v12;
	v20 =	vld.idx.msk [tilespmem:v9+s20+$0x0], $0xffff  }
0x134: {  	v23 =	vld [tilespmem:s0+$0xFFFFFFF0];
	v21 =	vcvt.f32.s32 v2;
	v2 =	vmul.f32 $3.996000060e+02, v16  }
0x135: {  	v14 =	vld [tilespmem:s0+$0xFFFFFF80];
	v24 =	vtrunc.f32 v7;
	v25 =	vtrunc.f32 v15  }
0x136: {  	v6 =	vsub.f32 v6, v10;
	v9 =	vcvt.s32.f32 v17;
	v10 =	vld.idx.msk [tilespmem:v17+s20+$0x0], $0xffff;
	v17 =	vtrunc.f32 v22  }
0x137: {  	v32 =	vcvt.f32.s32 v25;
	v17 =	vcvt.f32.s32 v17  }
0x138: {  	v16 =	vcvt.s32.f32 v21;
	v4 =	vld.idx.msk [tilespmem:v8+s20+$0x0], $0xffff;
	v11 =	vsub.f32 v11, v9;
	v8 =	vshll.u32 v20, $0x10  }
0x139: {  	v26 =	vmul.f32 v8, v6;
	v8 =	vsub.f32 v1, v5;
	v5 =	vtrunc.f32 v18  }
0x13a: {  	v12 =	vsub.f32 v12, v16;
	v1 =	vmul.f32 $3.996000060e+02, v14;
	v6 =	vld.idx.msk [tilespmem:v21+s20+$0x0], $0xffff;
	v14 =	vmul.f32 $3.996000060e+02, v23  }
0x13b: {  	v16 =	vld [tilespmem:s0+$0xFFFFFFB0];
	v28 =	vcvt.s32.f32 v17;
	v5 =	vcvt.f32.s32 v5;
	v21 =	vshll.u32 v10, $0x10  }
0x13c: {  	v11 =	vmul.f32 v21, v11;
	v21 =	vtrunc.f32 v14  }
0x13d: {  	v24 =	vcvt.f32.s32 v24;
	v26 =	vadd.f32 v20, v26;
	v30 =	vcvt.f32.s32 v21;
	v21 =	vld.idx.msk [tilespmem:v17+s20+$0x0], $0xffff  }
0x13e: {  	s30 =	simm.s32 $0x8880;
	v23 =	vcvt.f32.s32 v19;
	v19 =	vsub.f32 v22, v28;
	v22 =	vcvt.s32.f32 v32  }
0x13f: {  	v31 =	vcvt.s32.f32 v5;
	[tilespmem:s30+$0x70] =	vst v26;
	v26 =	vcvt.s32.f32 v24;
	v17 =	vshll.u32 v6, $0x10  }
0x140: {  	v25 =	vld [tilespmem:s0+$0xFFFFFFD0];
	v11 =	vadd.f32 v10, v11;
	v10 =	vmul.f32 $3.996000060e+02, v16;
	v16 =	vsub.f32 v15, v22  }
0x141: {  	v15 =	vtrunc.f32 v3;
	v12 =	vmul.f32 v17, v12;
	v17 =	vsub.f32 v18, v31;
	v5 =	vld.idx.msk [tilespmem:v5+s20+$0x0], $0xffff  }
0x142: {  	v31 =	vcvt.s32.f32 v23;
	v18 =	vsub.f32 v13, v27;
	v13 =	vld.idx.msk [tilespmem:v33+s20+$0x0], $0xffff;
	v28 =	vshll.u32 v21, $0x10  }
0x143: {  	v9 =	vshll.u32 v4, $0x10;
	v20 =	vcvt.s32.f32 v30;
	v22 =	vld.idx.msk [tilespmem:v30+s20+$0x0], $0xffff;
	v28 =	vmul.f32 v28, v19  }
0x144: {  	s2 =	simm.s32 $0x0;
	s29 =	simm.s32 $0x8880;
	s0 =	simm.s32 $0x980;
	v27 =	vtrunc.f32 v10;
	[tilespmem:s30+$0x30] =	vst v11;
	v11 =	vld.idx.msk [tilespmem:v32+s20+$0x0], $0xffff;
	v19 =	vcvt.f32.s32 v15;
	v15 =	vsub.f32 v29, v31  }
.LBB2_9:
0x145: {  	s2 =	sadd.s32 $0x100, s2;
	v27 =	vcvt.f32.s32 v27;
	v25 =	vmul.f32 $3.996000060e+02, v25;
	v23 =	vld.idx.msk [tilespmem:v23+s20+$0x0], $0xffff;
	v21 =	vadd.f32 v21, v28;
	s30 =	sadd.s32 $0x100, s30  }
0x146: {  	v29 =	vshll.u32 v5, $0x10;
	v30 =	vtrunc.f32 v2;
	p0 =	slt.u32 s2, $0x3F00;
	v24 =	vld.idx.msk [tilespmem:v24+s20+$0x0], $0xffff;
	v28 =	vcvt.s32.f32 v19  }
0x147: {  	v8 =	vmul.f32 v9, v8;
	v14 =	vsub.f32 v14, v20;
	v31 =	vld [tilespmem:s0+$0xFFFFFF90];
	v9 =	vtrunc.f32 v25  }
0x148: {  	v7 =	vsub.f32 v7, v26;
	v26 =	vshll.u32 v22, $0x10;
	v20 =	vld [tilespmem:s0+$0x70];
	[tilespmem:s29+$0x40] =	vst v21;
	v21 =	vcvt.f32.s32 v30  }
0x149: {  	v9 =	vcvt.f32.s32 v9;
	v28 =	vsub.f32 v3, v28;
	v3 =	vmul.f32 v26, v14;
	v30 =	vld [tilespmem:s0+$0x10]  }
0x14a: {  	v4 =	vadd.f32 v4, v8;
	v8 =	vcvt.s32.f32 v27;
	v26 =	vshll.u32 v13, $0x10;
	v14 =	vld [tilespmem:s0+$0x50]  }
0x14b: {  	v17 =	vmul.f32 v29, v17;
	v33 =	vcvt.s32.f32 v9;
	v3 =	vadd.f32 v22, v3;
	v32 =	vld [tilespmem:s0+$0x30]  }
0x14c: {  	v29 =	vcvt.s32.f32 v21;
	v22 =	vmul.f32 $3.996000060e+02, v31;
	[tilespmem:s29+$0xFFFFFF90] =	vst v4;
	v4 =	vshll.u32 v24, $0x10;
	v19 =	vld.idx.msk [tilespmem:v19+s20+$0x0], $0xffff  }
0x14d: {  	v34 =	vtrunc.f32 v1;
	v18 =	vmul.f32 v26, v18;
	v35 =	vshll.u32 v23, $0x10;
	v31 =	vld [tilespmem:s0+$0x20]  }
0x14e: {  	v36 =	vshll.u32 v11, $0x10;
	v7 =	vmul.f32 v4, v7;
	v26 =	vtrunc.f32 v22;
	v21 =	vld.idx.msk [tilespmem:v21+s20+$0x0], $0xffff  }
0x14f: {  	v6 =	vadd.f32 v6, v12;
	v16 =	vmul.f32 v36, v16;
	v4 =	vcvt.f32.s32 v26;
	v26 =	vld.idx.msk [tilespmem:v27+s20+$0x0], $0xffff  }
0x150: {  	v12 =	vld [tilespmem:s0+$0xFFFFFFA0];
	v27 =	vmul.f32 $3.996000060e+02, v32;
	[tilespmem:s29+$0xFFFFFFF0] =	vst v3;
	v3 =	vadd.f32 v13, v18;
	v18 =	vsub.f32 v2, v29  }
0x151: {  	v10 =	vsub.f32 v10, v8;
	v14 =	vmul.f32 $3.996000060e+02, v14;
	v2 =	vmul.f32 v35, v15;
	v29 =	vld.idx.msk [tilespmem:v9+s20+$0x0], $0xffff;
	[tilespmem:s29+$0x50] =	vst v6  }
0x152: {  	v8 =	vmul.f32 $3.996000060e+02, v20;
	v9 =	vcvt.f32.s32 v34;
	v20 =	vshll.u32 v19, $0x10;
	v6 =	vld [tilespmem:s0+$0xFFFFFFE0];
	[tilespmem:s29+$0x20] =	vst v3  }
0x153: {  	v25 =	vsub.f32 v25, v33;
	v13 =	vmul.f32 $3.996000060e+02, v31;
	v2 =	vadd.f32 v23, v2  }
0x154: {  	v11 =	vadd.f32 v11, v16;
	v23 =	vcvt.s32.f32 v4;
	v3 =	vtrunc.f32 v8;
	v31 =	vld [tilespmem:s0+$0x60]  }
0x155: {  	v32 =	vshll.u32 v21, $0x10;
	v4 =	vld.idx.msk [tilespmem:v4+s20+$0x0], $0xffff;
	v16 =	vmul.f32 $3.996000060e+02, v12;
	v12 =	vcvt.f32.s32 v3;
	[tilespmem:s29+$0x10] =	vst v2  }
0x156: {  	v15 =	vmul.f32 $3.996000060e+02, v30;
	v30 =	vshll.u32 v26, $0x10;
	v2 =	vtrunc.f32 v27  }
0x157: {  	v34 =	vshll.u32 v29, $0x10;
	v33 =	vld [tilespmem:s0+$0xFFFFFFC0];
	v3 =	vmul.f32 $3.996000060e+02, v6;
	v6 =	vcvt.s32.f32 v12  }
0x158: {  	v7 =	vadd.f32 v24, v7;
	v35 =	vtrunc.f32 v15;
	v36 =	vcvt.f32.s32 v2;
	v37 =	vld [tilespmem:s0+$0x40]  }
0x159: {  	v24 =	vtrunc.f32 v14;
	v38 =	vcvt.s32.f32 v9;
	v6 =	vsub.f32 v8, v6;
	v39 =	vld.idx.msk [tilespmem:v9+s20+$0x0], $0xffff  }
0x15a: {  	v8 =	vsub.f32 v22, v23;
	v23 =	vcvt.s32.f32 v36;
	v2 =	vmul.f32 $3.996000060e+02, v31;
	v22 =	vld [tilespmem:s0+$0x0];
	[tilespmem:s29+$0xFFFFFFC0] =	vst v7  }
0x15b: {  	v24 =	vcvt.f32.s32 v24;
	v31 =	vsub.f32 v1, v38;
	v9 =	vshll.u32 v4, $0x10;
	v12 =	vld.idx.msk [tilespmem:v12+s20+$0x0], $0xffff;
	[tilespmem:s29+$0xFFFFFFA0] =	vst v11  }
0x15c: {  	v1 =	vmul.f32 v30, v10;
	v11 =	vsub.f32 v27, v23;
	v7 =	vmul.f32 $3.996000060e+02, v33  }
0x15d: {  	v5 =	vadd.f32 v5, v17;
	v17 =	vmul.f32 v32, v18;
	v10 =	vmul.f32 $3.996000060e+02, v37  }
0x15e: {  	v25 =	vmul.f32 v34, v25;
	v23 =	vcvt.s32.f32 v24;
	v1 =	vadd.f32 v26, v1;
	v18 =	vld [tilespmem:s0+$0xFFFFFF80]  }
0x15f: {  	v20 =	vmul.f32 v20, v28;
	v30 =	vshll.u32 v39, $0x10;
	v26 =	vld.idx.msk [tilespmem:v36+s20+$0x0], $0xffff;
	v27 =	vtrunc.f32 v10;
	[tilespmem:s29+$0x0] =	vst v5  }
0x160: {  	v32 =	vsub.f32 v14, v23;
	v5 =	vtrunc.f32 v7;
	v22 =	vmul.f32 $3.996000060e+02, v22;
	v28 =	vld [tilespmem:s0+$0xFFFFFFF0];
	[tilespmem:s29+$0xFFFFFFB0] =	vst v1  }
0x161: {  	v23 =	vtrunc.f32 v16;
	v27 =	vcvt.f32.s32 v27;
	v1 =	vshll.u32 v12, $0x10  }
0x162: {  	v19 =	vadd.f32 v19, v20;
	v17 =	vadd.f32 v21, v17;
	v14 =	vmul.f32 v1, v6  }
0x163: {  	v21 =	vadd.f32 v29, v25;
	v33 =	vtrunc.f32 v13;
	v20 =	vtrunc.f32 v22  }
0x164: {  	v1 =	vmul.f32 $3.996000060e+02, v18;
	v18 =	vcvt.s32.f32 v27;
	v12 =	vadd.f32 v12, v14;
	v6 =	vld.idx.msk [tilespmem:v24+s20+$0x0], $0xffff  }
0x165: {  	v25 =	vmul.f32 v30, v31;
	v24 =	vshll.u32 v26, $0x10;
	v14 =	vmul.f32 $3.996000060e+02, v28;
	[tilespmem:s29+$0xFFFFFFD0] =	vst v21  }
0x166: {  	v28 =	vcvt.f32.s32 v20;
	v11 =	vmul.f32 v24, v11;
	v29 =	vsub.f32 v10, v18;
	[tilespmem:s29+$0x60] =	vst v17  }
0x167: {  	v10 =	vtrunc.f32 v14;
	v21 =	vld.idx.msk [tilespmem:v27+s20+$0x0], $0xffff;
	[tilespmem:s30+$0x70] =	vst v12;
	v12 =	vadd.f32 v39, v25  }
0x168: {  	v11 =	vadd.f32 v26, v11;
	v18 =	vld [tilespmem:s0+$0xFFFFFFB0];
	v27 =	vcvt.f32.s32 v10;
	v10 =	vcvt.s32.f32 v28  }
0x169: {  	v30 =	vcvt.f32.s32 v33;
	v26 =	vcvt.f32.s32 v23;
	[tilespmem:s29+$0xFFFFFF80] =	vst v12  }
0x16a: {  	v23 =	vcvt.f32.s32 v35;
	v12 =	vshll.u32 v6, $0x10;
	v20 =	vcvt.s32.f32 v27;
	[tilespmem:s29+$0xFFFFFFE0] =	vst v19;
	s29 =	smov.u32 s30  }
0x16b: {  	v24 =	vcvt.f32.s32 v5;
	v17 =	vsub.f32 v22, v10;
	v12 =	vmul.f32 v12, v32;
	v25 =	vld [tilespmem:s0+$0xFFFFFFD0];
	[tilespmem:s30+$0x30] =	vst v11  }
.Ltmp3:
0x16c: {  	v19 =	vcvt.s32.f32 v30;
	v11 =	vcvt.s32.f32 v26;
	v5 =	vld.idx.msk [tilespmem:v28+s20+$0x0], $0xffff;
	(pc) =	sbr.rel @p0 .LBB2_9-.Ltmp3, $4  }
0x16d: {  	v31 =	vcvt.s32.f32 v23;
	v10 =	vmul.f32 $3.996000060e+02, v18  }
0x16e: {  	v32 =	vtrunc.f32 v3;
	v16 =	vsub.f32 v16, v11;
	v11 =	vshll.u32 v21, $0x10;
	v22 =	vld.idx.msk [tilespmem:v27+s20+$0x0], $0xffff  }
0x16f: {  	v18 =	vsub.f32 v13, v19;
	v28 =	vmul.f32 v11, v29;
	v27 =	vtrunc.f32 v10;
	v13 =	vld.idx.msk [tilespmem:v30+s20+$0x0], $0xffff  }
0x170: {  	v15 =	vsub.f32 v15, v31;
	s0 =	sadd.s32 $0x100, s0;
	v19 =	vcvt.f32.s32 v32;
	v11 =	vld.idx.msk [tilespmem:v26+s20+$0x0], $0xffff;
	v26 =	vcvt.s32.f32 v24  }
0x171: {  	v27 =	vcvt.f32.s32 v27;
	v25 =	vmul.f32 $3.996000060e+02, v25  }
0x172: {  	v21 =	vadd.f32 v21, v28;
	v28 =	vtrunc.f32 v2;
	v30 =	vshll.u32 v5, $0x10  }
0x173: {  	v8 =	vmul.f32 v9, v8;
	v14 =	vsub.f32 v14, v20;
	v29 =	vcvt.s32.f32 v19  }
0x174: {  	v6 =	vadd.f32 v6, v12;
	v28 =	vcvt.f32.s32 v28;
	v9 =	vtrunc.f32 v25  }
0x175: {  	v20 =	vld.idx.msk [tilespmem:v23+s20+$0x0], $0xffff;
	v17 =	vmul.f32 v30, v17;
	v23 =	vshll.u32 v22, $0x10;
	v9 =	vcvt.f32.s32 v9  }
0x176: {  	v24 =	vld.idx.msk [tilespmem:v24+s20+$0x0], $0xffff;
	v7 =	vsub.f32 v7, v26;
	v14 =	vmul.f32 v23, v14;
	v23 =	vtrunc.f32 v1  }
0x177: {  	v4 =	vadd.f32 v4, v8;
	v8 =	vcvt.s32.f32 v27;
	[tilespmem:s29+$0x40] =	vst v21;
	v23 =	vcvt.f32.s32 v23  }
0x178: {  	[tilespmem:s29+$0x50] =	vst v6;
	v3 =	vsub.f32 v3, v29;
	v26 =	vshll.u32 v13, $0x10;
	v30 =	vcvt.s32.f32 v28  }
0x179: {  	v5 =	vadd.f32 v5, v17;
	v18 =	vmul.f32 v26, v18;
	v14 =	vadd.f32 v22, v14;
	v27 =	vld.idx.msk [tilespmem:v27+s20+$0x0], $0xffff  }
0x17a: {  	v26 =	vshll.u32 v11, $0x10;
	[tilespmem:s29+$0xFFFFFF90] =	vst v4;
	v8 =	vsub.f32 v10, v8;
	v21 =	vshll.u32 v20, $0x10;
	v28 =	vld.idx.msk [tilespmem:v28+s20+$0x0], $0xffff  }
0x17b: {  	v29 =	vcvt.s32.f32 v9;
	v22 =	vshll.u32 v24, $0x10;
	v12 =	vmul.f32 v21, v15;
	[tilespmem:s29+$0xFFFFFFF0] =	vst v14;
	v14 =	vld.idx.msk [tilespmem:v19+s20+$0x0], $0xffff  }
0x17c: {  	v16 =	vmul.f32 v26, v16;
	v2 =	vsub.f32 v2, v30;
	v4 =	vadd.f32 v13, v18;
	v9 =	vld.idx.msk [tilespmem:v9+s20+$0x0], $0xffff  }
0x17d: {  	v7 =	vmul.f32 v22, v7;
	v10 =	vsub.f32 v25, v29;
	v6 =	vadd.f32 v20, v12;
	v13 =	vld.idx.msk [tilespmem:v23+s20+$0x0], $0xffff  }
0x17e: {  	v11 =	vadd.f32 v11, v16;
	[tilespmem:s29+$0x20] =	vst v4;
	v12 =	vcvt.s32.f32 v23;
	v4 =	vshll.u32 v27, $0x10  }
0x17f: {  	v7 =	vadd.f32 v24, v7;
	[tilespmem:s29+$0x10] =	vst v6;
	v6 =	vshll.u32 v28, $0x10;
	v4 =	vmul.f32 v4, v8  }
0x180: {  	[tilespmem:s29+$0x0] =	vst v5;
	v1 =	vsub.f32 v1, v12;
	v8 =	vshll.u32 v14, $0x10;
	v2 =	vmul.f32 v6, v2  }
0x181: {  	[tilespmem:s29+$0xFFFFFFA0] =	vst v11;
	v3 =	vmul.f32 v8, v3;
	v15 =	vshll.u32 v9, $0x10;
	v4 =	vadd.f32 v27, v4  }
0x182: {  	[tilespmem:s29+$0xFFFFFFC0] =	vst v7;
	v7 =	vmul.f32 v15, v10;
	v6 =	vshll.u32 v13, $0x10;
	v2 =	vadd.f32 v28, v2  }
0x183: {  	v3 =	vadd.f32 v14, v3;
	v1 =	vmul.f32 v6, v1;
	[tilespmem:s29+$0xFFFFFFB0] =	vst v4  }
0x184: {  	s0 =	sshll.u32 s28, $0xF;
	v5 =	vadd.f32 v9, v7;
	[tilespmem:s29+$0x60] =	vst v2  }
0x185: {  	s0 =	sor.u32 s6, s0;
	[tilespmem:s29+$0xFFFFFFE0] =	vst v3;
	v1 =	vadd.f32 v13, v1  }
0x186: {  	s30 =	sshrl.u32 s0, $0x3;
	[tilespmem:s29+$0xFFFFFFD0] =	vst v5  }
0x187: {  	s0 =	sadd.s32 s4, s30;
	[tilespmem:s29+$0xFFFFFF80] =	vst v1;
	s29 =	sshll.u32 s28, $0x1  }
0x188: {  	[hbm4b:s0+s5] =	stream.linear.scatter [tilespmem:s21], [sflag:$0x3], $0x4000, $0x38;
	[tilespmem:$0x10800] =	vst v63  }
0x189: {  	s2 =	smin.u32 s29, $0xD  }
0x18a: {  	s0 =	sshll.u32 s2, $0xE  }
0x18b: {  	s0 =	sadd.s32 s0, s13  }
0x18c: {  	s0 =	sshrl.u32 s0, $0x3  }
0x18d: {  	s0 =	sadd.s32 s1, s0  }
0x18e: {  	[tilespmem:s17], [sflag:$0x1] =	stream.linear.gather [hbm4b:s0+s5], $0x4000, $0x38;
	[tilespmem:$0x10800] =	vst v63  }
0x18f: {  	_ =	swait.ge [sflag:s22], $0x4000  }
0x190: {  	[sflag:s22] =	ssyncset.done $0x0  }
0x191: {  	[sflag:s22] =	ssyncadd.s32 $0xFFFFC000  }
0x192: {  	_ =	swait.ge [sflag:s25], $0x4000  }
0x193: {  	[sflag:s25] =	ssyncset.done $0x0  }
0x194: {  	s3 =	simm.s32 $0x4880;
	[sflag:s25] =	ssyncadd.s32 $0xFFFFC000  }
0x195: {  	v1 =	vld [tilespmem:s3+$0xFFFFFF90]  }
0x196: {  	v2 =	vld [tilespmem:s3+$0x70]  }
0x197: {  	v3 =	vld [tilespmem:s3+$0x50]  }
0x198: {  	v4 =	vld [tilespmem:s3+$0x30]  }
0x199: {  	v5 =	vld [tilespmem:s3+$0x20]  }
0x19a: {  	v7 =	vld [tilespmem:s3+$0x10]  }
0x19b: {  	v10 =	vld [tilespmem:s3+$0xFFFFFFE0]  }
0x19c: {  	v14 =	vld [tilespmem:s3+$0x40]  }
0x19d: {  	v18 =	vld [tilespmem:s3+$0x0]  }
0x19e: {  	v1 =	vmul.f32 $3.996000060e+02, v1;
	v6 =	vmul.f32 $3.996000060e+02, v2  }
0x19f: {  	v11 =	vmul.f32 $3.996000060e+02, v4;
	v12 =	vmul.f32 $3.996000060e+02, v3  }
0x1a0: {  	v2 =	vld [tilespmem:s3+$0xFFFFFFA0];
	v13 =	vmul.f32 $3.996000060e+02, v5;
	v29 =	vmul.f32 $3.996000060e+02, v7  }
0x1a1: {  	v3 =	vmul.f32 $3.996000060e+02, v10;
	v22 =	vmul.f32 $3.996000060e+02, v14  }
0x1a2: {  	v18 =	vmul.f32 $3.996000060e+02, v18;
	v9 =	vtrunc.f32 v6  }
0x1a3: {  	v4 =	vld [tilespmem:s3+$0xFFFFFFC0];
	v8 =	vtrunc.f32 v1;
	v9 =	vcvt.f32.s32 v9  }
0x1a4: {  	v19 =	vtrunc.f32 v29;
	v8 =	vcvt.f32.s32 v8  }
0x1a5: {  	v16 =	vld [tilespmem:s3+$0x60];
	v15 =	vmul.f32 $3.996000060e+02, v2;
	v2 =	vtrunc.f32 v11  }
0x1a6: {  	v27 =	vtrunc.f32 v13;
	v17 =	vcvt.f32.s32 v2  }
0x1a7: {  	v33 =	vcvt.f32.s32 v27;
	v5 =	vcvt.s32.f32 v8  }
0x1a8: {  	v10 =	vcvt.s32.f32 v9;
	v7 =	vmul.f32 $3.996000060e+02, v4  }
0x1a9: {  	v27 =	vcvt.s32.f32 v33;
	v2 =	vtrunc.f32 v12;
	v20 =	vld.idx.msk [tilespmem:v9+s20+$0x0], $0xffff  }
0x1aa: {  	v23 =	vld [tilespmem:s3+$0xFFFFFFF0];
	v21 =	vcvt.f32.s32 v2;
	v2 =	vmul.f32 $3.996000060e+02, v16  }
0x1ab: {  	v14 =	vld [tilespmem:s3+$0xFFFFFF80];
	v24 =	vtrunc.f32 v7;
	v25 =	vtrunc.f32 v15  }
0x1ac: {  	v6 =	vsub.f32 v6, v10;
	v9 =	vcvt.s32.f32 v17;
	v10 =	vld.idx.msk [tilespmem:v17+s20+$0x0], $0xffff;
	v17 =	vtrunc.f32 v22  }
0x1ad: {  	v32 =	vcvt.f32.s32 v25;
	v17 =	vcvt.f32.s32 v17  }
0x1ae: {  	v16 =	vcvt.s32.f32 v21;
	v4 =	vld.idx.msk [tilespmem:v8+s20+$0x0], $0xffff;
	v11 =	vsub.f32 v11, v9;
	v8 =	vshll.u32 v20, $0x10  }
0x1af: {  	v26 =	vmul.f32 v8, v6;
	v8 =	vsub.f32 v1, v5;
	v5 =	vtrunc.f32 v18  }
0x1b0: {  	v12 =	vsub.f32 v12, v16;
	v1 =	vmul.f32 $3.996000060e+02, v14;
	v6 =	vld.idx.msk [tilespmem:v21+s20+$0x0], $0xffff;
	v14 =	vmul.f32 $3.996000060e+02, v23  }
0x1b1: {  	v16 =	vld [tilespmem:s3+$0xFFFFFFB0];
	v28 =	vcvt.s32.f32 v17;
	v5 =	vcvt.f32.s32 v5;
	v21 =	vshll.u32 v10, $0x10  }
0x1b2: {  	v11 =	vmul.f32 v21, v11;
	v21 =	vtrunc.f32 v14  }
0x1b3: {  	v24 =	vcvt.f32.s32 v24;
	v26 =	vadd.f32 v20, v26;
	v30 =	vcvt.f32.s32 v21;
	v21 =	vld.idx.msk [tilespmem:v17+s20+$0x0], $0xffff  }
0x1b4: {  	s2 =	simm.s32 $0xC880;
	v23 =	vcvt.f32.s32 v19;
	v19 =	vsub.f32 v22, v28;
	v22 =	vcvt.s32.f32 v32  }
0x1b5: {  	v31 =	vcvt.s32.f32 v5;
	[tilespmem:s2+$0x70] =	vst v26;
	v26 =	vcvt.s32.f32 v24;
	v17 =	vshll.u32 v6, $0x10  }
0x1b6: {  	v25 =	vld [tilespmem:s3+$0xFFFFFFD0];
	v11 =	vadd.f32 v10, v11;
	v10 =	vmul.f32 $3.996000060e+02, v16;
	v16 =	vsub.f32 v15, v22  }
0x1b7: {  	v15 =	vtrunc.f32 v3;
	v12 =	vmul.f32 v17, v12;
	v17 =	vsub.f32 v18, v31;
	v5 =	vld.idx.msk [tilespmem:v5+s20+$0x0], $0xffff  }
0x1b8: {  	v31 =	vcvt.s32.f32 v23;
	v18 =	vsub.f32 v13, v27;
	v13 =	vld.idx.msk [tilespmem:v33+s20+$0x0], $0xffff;
	v28 =	vshll.u32 v21, $0x10  }
0x1b9: {  	v9 =	vshll.u32 v4, $0x10;
	v20 =	vcvt.s32.f32 v30;
	v22 =	vld.idx.msk [tilespmem:v30+s20+$0x0], $0xffff;
	v28 =	vmul.f32 v28, v19  }
0x1ba: {  	s31 =	simm.s32 $0xC880;
	s0 =	simm.s32 $0x0;
	s3 =	simm.s32 $0x4980;
	v27 =	vtrunc.f32 v10;
	[tilespmem:s2+$0x30] =	vst v11;
	v11 =	vld.idx.msk [tilespmem:v32+s20+$0x0], $0xffff;
	v19 =	vcvt.f32.s32 v15;
	v15 =	vsub.f32 v29, v31  }
.LBB2_11:
0x1bb: {  	s0 =	sadd.s32 $0x100, s0;
	v27 =	vcvt.f32.s32 v27;
	v25 =	vmul.f32 $3.996000060e+02, v25;
	v23 =	vld.idx.msk [tilespmem:v23+s20+$0x0], $0xffff;
	v21 =	vadd.f32 v21, v28;
	s2 =	sadd.s32 $0x100, s2  }
0x1bc: {  	v29 =	vshll.u32 v5, $0x10;
	v30 =	vtrunc.f32 v2;
	p0 =	slt.u32 s0, $0x3F00;
	v24 =	vld.idx.msk [tilespmem:v24+s20+$0x0], $0xffff;
	v28 =	vcvt.s32.f32 v19  }
0x1bd: {  	v8 =	vmul.f32 v9, v8;
	v14 =	vsub.f32 v14, v20;
	v31 =	vld [tilespmem:s3+$0xFFFFFF90];
	v9 =	vtrunc.f32 v25  }
0x1be: {  	v7 =	vsub.f32 v7, v26;
	v26 =	vshll.u32 v22, $0x10;
	v20 =	vld [tilespmem:s3+$0x70];
	[tilespmem:s31+$0x40] =	vst v21;
	v21 =	vcvt.f32.s32 v30  }
0x1bf: {  	v9 =	vcvt.f32.s32 v9;
	v28 =	vsub.f32 v3, v28;
	v3 =	vmul.f32 v26, v14;
	v30 =	vld [tilespmem:s3+$0x10]  }
0x1c0: {  	v4 =	vadd.f32 v4, v8;
	v8 =	vcvt.s32.f32 v27;
	v26 =	vshll.u32 v13, $0x10;
	v14 =	vld [tilespmem:s3+$0x50]  }
0x1c1: {  	v17 =	vmul.f32 v29, v17;
	v33 =	vcvt.s32.f32 v9;
	v3 =	vadd.f32 v22, v3;
	v32 =	vld [tilespmem:s3+$0x30]  }
0x1c2: {  	v29 =	vcvt.s32.f32 v21;
	v22 =	vmul.f32 $3.996000060e+02, v31;
	[tilespmem:s31+$0xFFFFFF90] =	vst v4;
	v4 =	vshll.u32 v24, $0x10;
	v19 =	vld.idx.msk [tilespmem:v19+s20+$0x0], $0xffff  }
0x1c3: {  	v34 =	vtrunc.f32 v1;
	v18 =	vmul.f32 v26, v18;
	v35 =	vshll.u32 v23, $0x10;
	v31 =	vld [tilespmem:s3+$0x20]  }
0x1c4: {  	v36 =	vshll.u32 v11, $0x10;
	v7 =	vmul.f32 v4, v7;
	v26 =	vtrunc.f32 v22;
	v21 =	vld.idx.msk [tilespmem:v21+s20+$0x0], $0xffff  }
0x1c5: {  	v6 =	vadd.f32 v6, v12;
	v16 =	vmul.f32 v36, v16;
	v4 =	vcvt.f32.s32 v26;
	v26 =	vld.idx.msk [tilespmem:v27+s20+$0x0], $0xffff  }
0x1c6: {  	v12 =	vld [tilespmem:s3+$0xFFFFFFA0];
	v27 =	vmul.f32 $3.996000060e+02, v32;
	[tilespmem:s31+$0xFFFFFFF0] =	vst v3;
	v3 =	vadd.f32 v13, v18;
	v18 =	vsub.f32 v2, v29  }
0x1c7: {  	v10 =	vsub.f32 v10, v8;
	v14 =	vmul.f32 $3.996000060e+02, v14;
	v2 =	vmul.f32 v35, v15;
	v29 =	vld.idx.msk [tilespmem:v9+s20+$0x0], $0xffff;
	[tilespmem:s31+$0x50] =	vst v6  }
0x1c8: {  	v8 =	vmul.f32 $3.996000060e+02, v20;
	v9 =	vcvt.f32.s32 v34;
	v20 =	vshll.u32 v19, $0x10;
	v6 =	vld [tilespmem:s3+$0xFFFFFFE0];
	[tilespmem:s31+$0x20] =	vst v3  }
0x1c9: {  	v25 =	vsub.f32 v25, v33;
	v13 =	vmul.f32 $3.996000060e+02, v31;
	v2 =	vadd.f32 v23, v2  }
0x1ca: {  	v11 =	vadd.f32 v11, v16;
	v23 =	vcvt.s32.f32 v4;
	v3 =	vtrunc.f32 v8;
	v31 =	vld [tilespmem:s3+$0x60]  }
0x1cb: {  	v32 =	vshll.u32 v21, $0x10;
	v4 =	vld.idx.msk [tilespmem:v4+s20+$0x0], $0xffff;
	v16 =	vmul.f32 $3.996000060e+02, v12;
	v12 =	vcvt.f32.s32 v3;
	[tilespmem:s31+$0x10] =	vst v2  }
0x1cc: {  	v15 =	vmul.f32 $3.996000060e+02, v30;
	v30 =	vshll.u32 v26, $0x10;
	v2 =	vtrunc.f32 v27  }
0x1cd: {  	v34 =	vshll.u32 v29, $0x10;
	v33 =	vld [tilespmem:s3+$0xFFFFFFC0];
	v3 =	vmul.f32 $3.996000060e+02, v6;
	v6 =	vcvt.s32.f32 v12  }
0x1ce: {  	v7 =	vadd.f32 v24, v7;
	v35 =	vtrunc.f32 v15;
	v36 =	vcvt.f32.s32 v2;
	v37 =	vld [tilespmem:s3+$0x40]  }
0x1cf: {  	v24 =	vtrunc.f32 v14;
	v38 =	vcvt.s32.f32 v9;
	v6 =	vsub.f32 v8, v6;
	v39 =	vld.idx.msk [tilespmem:v9+s20+$0x0], $0xffff  }
0x1d0: {  	v8 =	vsub.f32 v22, v23;
	v23 =	vcvt.s32.f32 v36;
	v2 =	vmul.f32 $3.996000060e+02, v31;
	v22 =	vld [tilespmem:s3+$0x0];
	[tilespmem:s31+$0xFFFFFFC0] =	vst v7  }
0x1d1: {  	v24 =	vcvt.f32.s32 v24;
	v31 =	vsub.f32 v1, v38;
	v9 =	vshll.u32 v4, $0x10;
	v12 =	vld.idx.msk [tilespmem:v12+s20+$0x0], $0xffff;
	[tilespmem:s31+$0xFFFFFFA0] =	vst v11  }
0x1d2: {  	v1 =	vmul.f32 v30, v10;
	v11 =	vsub.f32 v27, v23;
	v7 =	vmul.f32 $3.996000060e+02, v33  }
0x1d3: {  	v5 =	vadd.f32 v5, v17;
	v17 =	vmul.f32 v32, v18;
	v10 =	vmul.f32 $3.996000060e+02, v37  }
0x1d4: {  	v25 =	vmul.f32 v34, v25;
	v23 =	vcvt.s32.f32 v24;
	v1 =	vadd.f32 v26, v1;
	v18 =	vld [tilespmem:s3+$0xFFFFFF80]  }
0x1d5: {  	v20 =	vmul.f32 v20, v28;
	v30 =	vshll.u32 v39, $0x10;
	v26 =	vld.idx.msk [tilespmem:v36+s20+$0x0], $0xffff;
	v27 =	vtrunc.f32 v10;
	[tilespmem:s31+$0x0] =	vst v5  }
0x1d6: {  	v32 =	vsub.f32 v14, v23;
	v5 =	vtrunc.f32 v7;
	v22 =	vmul.f32 $3.996000060e+02, v22;
	v28 =	vld [tilespmem:s3+$0xFFFFFFF0];
	[tilespmem:s31+$0xFFFFFFB0] =	vst v1  }
0x1d7: {  	v23 =	vtrunc.f32 v16;
	v27 =	vcvt.f32.s32 v27;
	v1 =	vshll.u32 v12, $0x10  }
0x1d8: {  	v19 =	vadd.f32 v19, v20;
	v17 =	vadd.f32 v21, v17;
	v14 =	vmul.f32 v1, v6  }
0x1d9: {  	v21 =	vadd.f32 v29, v25;
	v33 =	vtrunc.f32 v13;
	v20 =	vtrunc.f32 v22  }
0x1da: {  	v1 =	vmul.f32 $3.996000060e+02, v18;
	v18 =	vcvt.s32.f32 v27;
	v12 =	vadd.f32 v12, v14;
	v6 =	vld.idx.msk [tilespmem:v24+s20+$0x0], $0xffff  }
0x1db: {  	v25 =	vmul.f32 v30, v31;
	v24 =	vshll.u32 v26, $0x10;
	v14 =	vmul.f32 $3.996000060e+02, v28;
	[tilespmem:s31+$0xFFFFFFD0] =	vst v21  }
0x1dc: {  	v28 =	vcvt.f32.s32 v20;
	v11 =	vmul.f32 v24, v11;
	v29 =	vsub.f32 v10, v18;
	[tilespmem:s31+$0x60] =	vst v17  }
0x1dd: {  	v10 =	vtrunc.f32 v14;
	v21 =	vld.idx.msk [tilespmem:v27+s20+$0x0], $0xffff;
	[tilespmem:s2+$0x70] =	vst v12;
	v12 =	vadd.f32 v39, v25  }
0x1de: {  	v11 =	vadd.f32 v26, v11;
	v18 =	vld [tilespmem:s3+$0xFFFFFFB0];
	v27 =	vcvt.f32.s32 v10;
	v10 =	vcvt.s32.f32 v28  }
0x1df: {  	v30 =	vcvt.f32.s32 v33;
	v26 =	vcvt.f32.s32 v23;
	[tilespmem:s31+$0xFFFFFF80] =	vst v12  }
0x1e0: {  	v23 =	vcvt.f32.s32 v35;
	v12 =	vshll.u32 v6, $0x10;
	v20 =	vcvt.s32.f32 v27;
	[tilespmem:s31+$0xFFFFFFE0] =	vst v19;
	s31 =	smov.u32 s2  }
0x1e1: {  	v24 =	vcvt.f32.s32 v5;
	v17 =	vsub.f32 v22, v10;
	v12 =	vmul.f32 v12, v32;
	v25 =	vld [tilespmem:s3+$0xFFFFFFD0];
	[tilespmem:s2+$0x30] =	vst v11  }
.Ltmp4:
0x1e2: {  	v19 =	vcvt.s32.f32 v30;
	v11 =	vcvt.s32.f32 v26;
	v5 =	vld.idx.msk [tilespmem:v28+s20+$0x0], $0xffff;
	(pc) =	sbr.rel @p0 .LBB2_11-.Ltmp4, $4  }
0x1e3: {  	v31 =	vcvt.s32.f32 v23;
	v10 =	vmul.f32 $3.996000060e+02, v18  }
0x1e4: {  	v32 =	vtrunc.f32 v3;
	v16 =	vsub.f32 v16, v11;
	v11 =	vshll.u32 v21, $0x10;
	v22 =	vld.idx.msk [tilespmem:v27+s20+$0x0], $0xffff  }
0x1e5: {  	v18 =	vsub.f32 v13, v19;
	v28 =	vmul.f32 v11, v29;
	v27 =	vtrunc.f32 v10;
	v13 =	vld.idx.msk [tilespmem:v30+s20+$0x0], $0xffff  }
0x1e6: {  	v15 =	vsub.f32 v15, v31;
	s3 =	sadd.s32 $0x100, s3;
	v19 =	vcvt.f32.s32 v32;
	v11 =	vld.idx.msk [tilespmem:v26+s20+$0x0], $0xffff;
	v26 =	vcvt.s32.f32 v24  }
0x1e7: {  	v27 =	vcvt.f32.s32 v27;
	v25 =	vmul.f32 $3.996000060e+02, v25  }
0x1e8: {  	v21 =	vadd.f32 v21, v28;
	v36 =	vtrunc.f32 v2;
	v30 =	vshll.u32 v5, $0x10  }
0x1e9: {  	v8 =	vmul.f32 v9, v8;
	v14 =	vsub.f32 v14, v20;
	v40 =	vtrunc.f32 v1  }
0x1ea: {  	v6 =	vadd.f32 v6, v12;
	v29 =	vcvt.s32.f32 v19;
	v28 =	vcvt.f32.s32 v36  }
0x1eb: {  	v38 =	vld.idx.msk [tilespmem:v23+s20+$0x0], $0xffff;
	v7 =	vsub.f32 v7, v26;
	v23 =	vcvt.f32.s32 v40;
	v17 =	vmul.f32 v30, v17  }
0x1ec: {  	v24 =	vld.idx.msk [tilespmem:v24+s20+$0x0], $0xffff;
	v37 =	vtrunc.f32 v25;
	v39 =	vshll.u32 v22, $0x10;
	v4 =	vadd.f32 v4, v8  }
0x1ed: {  	v41 =	vcvt.s32.f32 v27;
	v9 =	vcvt.f32.s32 v37;
	v3 =	vsub.f32 v3, v29  }
0x1ee: {  	v14 =	vmul.f32 v39, v14;
	v42 =	vshll.u32 v13, $0x10;
	v45 =	vcvt.s32.f32 v28  }
0x1ef: {  	v52 =	vld.idx.msk [tilespmem:v19+s20+$0x0], $0xffff;
	[tilespmem:s31+$0x40] =	vst v21;
	v56 =	vcvt.s32.f32 v23;
	v59 =	vadd.f32 v5, v17;
	v18 =	vmul.f32 v42, v18  }
0x1f0: {  	[tilespmem:s31+$0x50] =	vst v6;
	v47 =	vshll.u32 v11, $0x10;
	v8 =	vsub.f32 v10, v41;
	v43 =	vcvt.s32.f32 v9;
	v27 =	vld.idx.msk [tilespmem:v27+s20+$0x0], $0xffff  }
0x1f1: {  	[tilespmem:s31+$0xFFFFFF90] =	vst v4;
	v14 =	vadd.f32 v22, v14;
	v44 =	vshll.u32 v24, $0x10;
	v16 =	vmul.f32 v47, v16;
	v28 =	vld.idx.msk [tilespmem:v28+s20+$0x0], $0xffff  }
0x1f2: {  	v46 =	vshll.u32 v38, $0x10;
	v2 =	vsub.f32 v2, v45;
	v1 =	vsub.f32 v1, v56;
	[tilespmem:s31+$0x0] =	vst v59;
	v51 =	vld.idx.msk [tilespmem:v23+s20+$0x0], $0xffff  }
0x1f3: {  	v7 =	vmul.f32 v44, v7;
	v48 =	vadd.f32 v13, v18;
	v49 =	vmul.f32 v46, v15;
	v9 =	vld.idx.msk [tilespmem:v9+s20+$0x0], $0xffff  }
0x1f4: {  	v62 =	vshll.u32 v52, $0x10;
	[tilespmem:s31+$0xFFFFFFF0] =	vst v14;
	v50 =	vsub.f32 v25, v43;
	v54 =	vadd.f32 v11, v16  }
0x1f5: {  	v3 =	vmul.f32 v62, v3;
	v53 =	vadd.f32 v38, v49;
	[tilespmem:s31+$0x20] =	vst v48;
	v55 =	vshll.u32 v27, $0x10  }
0x1f6: {  	v7 =	vadd.f32 v24, v7;
	[tilespmem:s31+$0xFFFFFFA0] =	vst v54;
	v57 =	vshll.u32 v28, $0x10;
	v4 =	vmul.f32 v55, v8  }
0x1f7: {  	v3 =	vadd.f32 v52, v3;
	[tilespmem:s31+$0x10] =	vst v53;
	v61 =	vshll.u32 v51, $0x10;
	v2 =	vmul.f32 v57, v2  }
0x1f8: {  	[tilespmem:s31+$0xFFFFFFC0] =	vst v7;
	v1 =	vmul.f32 v61, v1;
	v58 =	vshll.u32 v9, $0x10;
	v4 =	vadd.f32 v27, v4  }
0x1f9: {  	[tilespmem:s31+$0xFFFFFFE0] =	vst v3;
	v60 =	vmul.f32 v58, v50;
	v2 =	vadd.f32 v28, v2  }
0x1fa: {  	v1 =	vadd.f32 v51, v1;
	[tilespmem:s31+$0xFFFFFFB0] =	vst v4  }
0x1fb: {  	v63 =	vadd.f32 v9, v60;
	[tilespmem:s31+$0x60] =	vst v2  }
0x1fc: {  	s0 =	sadd.s32 s30, s4;
	s28 =	sadd.s32 $0x1, s28;
	[tilespmem:s31+$0xFFFFFF80] =	vst v1  }
0x1fd: {  	s0 =	sadd.s32 $0x800, s0;
	p0 =	sne.s32 s28, $0x8;
	[tilespmem:s31+$0xFFFFFFD0] =	vst v63;
	s31 =	smin.u32 s29, $0xC  }
0x1fe: {  	[hbm4b:s0+s5] =	stream.linear.scatter [tilespmem:s23], [sflag:$0x4], $0x4000, $0x38;
	[tilespmem:$0x10800] =	vst v63  }
.Ltmp5:
0x1ff: {  	s0 =	sshll.u32 s31, $0xE;
	(pc) =	sbr.rel @p0 .LBB2_8-.Ltmp5, $4  }
0x200: {  	s0 =	sadd.s32 s0, s14  }
0x201: {  	s0 =	sshrl.u32 s0, $0x3  }
0x202: {  	s0 =	sadd.s32 s1, s0  }
0x203: {  	[tilespmem:s18], [sflag:$0x2] =	stream.linear.gather [hbm4b:s0+s5], $0x4000, $0x38;
	[tilespmem:$0x10800] =	vst v63  }
0x204: {  	_ =	swait.ge [sflag:s19], $0x4000  }
0x205: {  	[sflag:s19] =	ssyncset.done $0x0  }
0x206: {  	[sflag:s19] =	ssyncadd.s32 $0xFFFFC000  }
0x207: {  	_ =	swait.ge [sflag:s24], $0x4000  }
0x208: {  	[sflag:s24] =	ssyncset.done $0x0  }
0x209: {  	s26 =	sadd.s32 $0x1, s26;
	[sflag:s24] =	ssyncadd.s32 $0xFFFFC000  }
0x20a: {  	p0 =	sne.s32 s26, s15;
	_ =	swait.ge [sflag:s22], $0x4000  }
.Ltmp6:
0x20b: {  	[sflag:s22] =	ssyncset.done $0x0;
	(pc) =	sbr.rel @p0 .LBB2_1-.Ltmp6, $4  }
0x20c: {  	[sflag:s22] =	ssyncadd.s32 $0xFFFFC000  }
0x20d: {  	_ =	swait.ge [sflag:s25], $0x4000  }
0x20e: {  	[sflag:s25] =	ssyncset.done $0x0  }
0x20f: {  	[sflag:s25] =	ssyncadd.s32 $0xFFFFC000  }
0x210: {  	_ =	sfence.sel $0x180000  }
0x211: {  	[bflag:$0x0] =	sbarrier.arrive $0xFFFF  }
0x212: {  	_ =	strace $0x90000047  }
0x213: {  	s0 =	stileid.u32;
	[bflag:$0x2] =	sbarrier.arrive $0xFFFF  }
0x214: {  	p0 =	sne.s32 s0, $0x0;
	s0 =	rddreg [dreg:$0x3]  }
0x215: {  	s0 =	sadd.s32 @!p0 $0x100000, s0  }
0x216: {  	[sflag:s0] =	ssyncadd.tile.s32 @!p0 $0x1;
	_ =	shalt  }
.Lfunc_end2:
_tile_overlayer_lowered:
.L_overlay_start_2:
0x217: {  	(tag) =	ssettag $0x2  }
0x218: {  	s0 =	rddreg [dreg:$0x0];
	s2 =	stileid.u32  }
0x219: {  	s1 =	rddreg [dreg:$0x1];
	p0 =	sne.s32 s2, $0x0  }
0x21a: {  	s3 =	rddreg [dreg:$0x2];
	[bflag:$0x3] =	sbarrier.arrive $0xFFFF;
	s2 =	simm.s32 @!p0 $0x1C05  }
0x21b: {  	[timem:s3], [sflag:s2] =	dma.local @!p0 [hbm:s0], s1  }
0x21c: {  	s0 =	simm.s32 @!p0 $0x5  }
0x21d: {  	_ =	swait.ge @!p0 [sflag:s0], s1  }
0x21e: {  	s1 =	ssub.s32 @!p0 $0x0, s1;
	[sflag:s0] =	ssyncset.done @!p0 $0x0  }
0x21f: {  	[sflag:s0] =	ssyncadd.s32 @!p0 s1  }
0x220: {  	[bflag:$0x3] =	sbarrier.arrive $0xFFFF  }
0x221: {  	_ =	shalt  }

</sc_bundles>
